<compile_context>
chip_gen: v7x
topology: tpu7x:2x2x1
jax: 0.10.2.dev20260603
libtpu: 0.0.44.dev20260713+nightly
codegen_flags: <defaults>
</compile_context>

<pallas_src>
import functools

import jax
import jax.numpy as jnp
from jax import lax
from jax.experimental import pallas as pl
from jax.experimental.pallas import tpu as pltpu
from jax.experimental.pallas import tpu_sc as plsc

EMB_DIM = 128
BATCH = 4096
SEQ = 50

_NC = 2
_NS = 16
_NW = _NC * _NS

_ROWS_PER_W = BATCH // _NW
_ROWS_PER_CHUNK = 1
_IDX_PER_CHUNK = _ROWS_PER_CHUNK * SEQ
_CHUNKS = _ROWS_PER_W // _ROWS_PER_CHUNK
_NLV = EMB_DIM // 16
_UNROLL = 1
_NBUF = 8


def _sc_pool_sums(news2, table):
  mesh = plsc.VectorSubcoreMesh(core_axis_name="c", subcore_axis_name="s")

  @functools.partial(
      pl.kernel,
      mesh=mesh,
      out_type=jax.ShapeDtypeStruct((BATCH, EMB_DIM), jnp.float32),
      scratch_types=[
          pltpu.VMEM((_CHUNKS, _IDX_PER_CHUNK), jnp.int32),
          pltpu.VMEM((_NBUF, _IDX_PER_CHUNK, EMB_DIM), jnp.float32),
          pltpu.VMEM((_ROWS_PER_W, EMB_DIM), jnp.float32),
      ] + [pltpu.SemaphoreType.DMA] * _NBUF,
  )
  def k(news_hbm, table_hbm, out_hbm, idx_v, g_v, acc_v, *sems):
    wid = lax.axis_index("s") * _NC + lax.axis_index("c")
    pltpu.sync_copy(news_hbm.at[pl.ds(wid * _CHUNKS, _CHUNKS)], idx_v)

    for par in range(_NBUF):
      pltpu.async_copy(table_hbm.at[idx_v.at[par]], g_v.at[par], sems[par])

    def pair_body(h, carry):
      for par in range(_NBUF):
        ci = _NBUF * h + par
        pltpu.make_async_copy(
            table_hbm.at[idx_v.at[ci]], g_v.at[par], sems[par]).wait()
        for r in range(_ROWS_PER_CHUNK):
          def acc_body(i, accs, _r=r):
            base = _r * SEQ + i * _UNROLL
            accs = list(accs)
            for u in range(_UNROLL):
              for j in range(_NLV):
                accs[j] = accs[j] + g_v[par, base + u, pl.ds(j * 16, 16)]
            return tuple(accs)
          accs = lax.fori_loop(
              0, SEQ // _UNROLL, acc_body,
              tuple(jnp.zeros((16,), jnp.float32) for _ in range(_NLV)))
          out_row = ci * _ROWS_PER_CHUNK + r
          for j in range(_NLV):
            acc_v[out_row, pl.ds(j * 16, 16)] = accs[j]
        @pl.when(h < _CHUNKS // _NBUF - 1)
        def _():
          pltpu.async_copy(
              table_hbm.at[idx_v.at[ci + _NBUF]], g_v.at[par], sems[par])
      return carry

    lax.fori_loop(0, _CHUNKS // _NBUF, pair_body, 0)
    pltpu.sync_copy(acc_v, out_hbm.at[pl.ds(wid * _ROWS_PER_W, _ROWS_PER_W)])

  return k(news2, table)


def _tc_finish_kernel(news_ref, s_ref, w_ref, b_ref, o_ref):
  cnt = jnp.sum((news_ref[...] != 0).astype(jnp.float32), axis=1,
                keepdims=True)
  vec = s_ref[...] / (cnt + 1e-8)
  out = lax.dot_general(vec, w_ref[...], (((1,), (1,)), ((), ())),
                        preferred_element_type=jnp.float32)
  o_ref[...] = jnp.maximum(out + b_ref[...], 0.0)


def _tc_finish(news_input, sums, W, b):
  blk = 2048
  grid = BATCH // blk
  return pl.pallas_call(
      _tc_finish_kernel,
      out_shape=jax.ShapeDtypeStruct((BATCH, EMB_DIM), jnp.float32),
      grid=(grid,),
      in_specs=[
          pl.BlockSpec((blk, SEQ), lambda i: (i, 0)),
          pl.BlockSpec((blk, EMB_DIM), lambda i: (i, 0)),
          pl.BlockSpec((EMB_DIM, EMB_DIM), lambda i: (0, 0)),
          pl.BlockSpec((1, EMB_DIM), lambda i: (0, 0)),
      ],
      out_specs=pl.BlockSpec((blk, EMB_DIM), lambda i: (i, 0)),
  )(news_input, sums, W, b.reshape(1, EMB_DIM))


def kernel(news_input, table, W, b):
  news2 = news_input.reshape(BATCH // _ROWS_PER_CHUNK, _IDX_PER_CHUNK)
  sums = _sc_pool_sums(news2, table)
  return _tc_finish(news_input, sums, W, b)

# --- scband reference (transcript-rebuilt; emitter-appended) ---
"""Pipeline reference for scband-news-encoder-51848845197396 (READ-ONLY COPY).

The authoritative reference and input builder live on the scoring server;
editing this copy changes nothing except your own understanding.
"""

import jax, jax.numpy as jnp
import numpy as np

VOCAB = 100000
EXTRA = 1000
EMB_DIM = 128
BATCH = 4096
SEQ = 50

def setup_inputs(seed: int = 0) -> dict:
    key = jax.random.key(seed)
    k1, k2, k3, k4 = jax.random.split(key, 4)
    news_input = jax.random.randint(k1, (BATCH, SEQ), 0, VOCAB + EXTRA, dtype=jnp.int64 if jax.config.jax_enable_x64 else jnp.int32).astype(jnp.int32)
    table = jax.random.normal(k2, (VOCAB + EXTRA, EMB_DIM), dtype=jnp.float32)
    table = table.at[0].set(0.0)  # padding_idx=0
    W = jax.random.normal(k3, (EMB_DIM, EMB_DIM), dtype=jnp.float32) * (1.0 / np.sqrt(EMB_DIM))
    b = jax.random.normal(k4, (EMB_DIM,), dtype=jnp.float32) * 0.01
    return {"news_input": news_input, "table": table, "W": W, "b": b}

def reference(news_input, table, W, b):
    # embedding lookup (gather)
    emb = jnp.take(table, news_input, axis=0)            # [B, L, D]
    mask = (news_input != 0)[..., None].astype(emb.dtype)  # [B, L, 1]
    vec = (emb * mask).sum(axis=1) / (mask.sum(axis=1) + 1e-08)  # [B, D]
    out = jax.nn.relu(vec @ W.T + b)                     # [B, D]
    return out

if __name__ == "__main__":
    import jax
    _d = setup_inputs()
    print(jax.jit(kernel)(*tuple(_d.values())))

</pallas_src>

<mosaic_0001>
#map = affine_map<(d0, d1) -> (0, 0)>
module attributes {stable_mosaic.version = 14 : i64} {
  func.func @k(%arg0: i32, %arg1: i32, %arg2: memref<4096x50xi32, #tpu.memory_space<hbm>>, %arg3: memref<101000x128xf32, #tpu.memory_space<hbm>>, %arg4: memref<4096x128xf32, #tpu.memory_space<hbm>>, %arg5: memref<128x50xi32, #tpu.memory_space<vmem>>, %arg6: memref<8x50x128xf32, #tpu.memory_space<vmem>>, %arg7: memref<128x128xf32, #tpu.memory_space<vmem>>, %arg8: memref<!tpu.dma_semaphore, #tpu.memory_space<semaphore_mem>>, %arg9: memref<!tpu.dma_semaphore, #tpu.memory_space<semaphore_mem>>, %arg10: memref<!tpu.dma_semaphore, #tpu.memory_space<semaphore_mem>>, %arg11: memref<!tpu.dma_semaphore, #tpu.memory_space<semaphore_mem>>, %arg12: memref<!tpu.dma_semaphore, #tpu.memory_space<semaphore_mem>>, %arg13: memref<!tpu.dma_semaphore, #tpu.memory_space<semaphore_mem>>, %arg14: memref<!tpu.dma_semaphore, #tpu.memory_space<semaphore_mem>>, %arg15: memref<!tpu.dma_semaphore, #tpu.memory_space<semaphore_mem>>) attributes {dimension_semantics = [#tpu.dimension_semantics<core_parallel>, #tpu.dimension_semantics<subcore_parallel>], iteration_bounds = array<i64: 2, 16>, scalar_prefetch = 0 : i64, scratch_operands = 11 : i64, tpu.core_type = #tpu.core_type<sc_vector_subcore>, window_params = [{transform_indices = #map}, {transform_indices = #map}, {transform_indices = #map}]} {
    %mul3A = arith.constant 2 : i32
    %mul3A_0 = arith.muli %arg1, %mul3A : i32
    %add3A = arith.addi %mul3A_0, %arg0 : i32
    %mul3A_1 = arith.constant 128 : i32
    %mul3A_2 = arith.muli %add3A, %mul3A_1 : i32
    "tpu.region"() ({
      %run_scoped3A = tpu.sem_alloc : memref<!tpu.dma_semaphore, #tpu.memory_space<semaphore_mem>>
      %dma_start3A_105 = arith.constant 0 : i32
      %dma_start3A_106 = tpu.memref_slice %arg2[%mul3A_2, %dma_start3A_105] : memref<4096x50xi32, #tpu.memory_space<hbm>> -> memref<128x50xi32, #tpu.memory_space<hbm>>
      %dma_start3A_107 = arith.constant 0 : i32
      %dma_start3A_108 = tpu.memref_slice %arg2[%mul3A_2, %dma_start3A_107] : memref<4096x50xi32, #tpu.memory_space<hbm>> -> memref<128x50xi32, #tpu.memory_space<hbm>>
      tpu.enqueue_dma source(%dma_start3A_108 : memref<128x50xi32, #tpu.memory_space<hbm>>) target(%arg5 : memref<128x50xi32, #tpu.memory_space<vmem>>) target_semaphore(%run_scoped3A : memref<!tpu.dma_semaphore, #tpu.memory_space<semaphore_mem>>)
      %dma_wait3A = arith.constant 0 : i32
      %dma_wait3A_109 = tpu.memref_slice %arg2[%mul3A_2, %dma_wait3A] : memref<4096x50xi32, #tpu.memory_space<hbm>> -> memref<128x50xi32, #tpu.memory_space<hbm>>
      %dma_wait3A_110 = arith.constant 0 : i32
      %dma_wait3A_111 = tpu.memref_slice %arg2[%mul3A_2, %dma_wait3A_110] : memref<4096x50xi32, #tpu.memory_space<hbm>> -> memref<128x50xi32, #tpu.memory_space<hbm>>
      tpu.wait_dma2 semaphore(%run_scoped3A : memref<!tpu.dma_semaphore, #tpu.memory_space<semaphore_mem>>) src(%dma_wait3A_111 : memref<128x50xi32, #tpu.memory_space<hbm>>) dst(%arg5 : memref<128x50xi32, #tpu.memory_space<vmem>>)
      tpu.yield
    }) : () -> ()
    %dma_start3A = arith.constant 0 : i32
    %dma_start3A_3 = arith.constant 0 : i32
    %dma_start3A_4 = arith.constant 0 : i32
    %dma_start3A_5 = arith.constant 0 : i32
    %dma_start3A_6 = tpu.memref_slice %arg6[%dma_start3A_3, %dma_start3A_4, %dma_start3A_5] : memref<8x50x128xf32, #tpu.memory_space<vmem>> -> memref<1x50x128xf32, #tpu.memory_space<vmem>>
    %dma_start3A_7 = tpu.memref_squeeze %dma_start3A_6 : memref<1x50x128xf32, #tpu.memory_space<vmem>> -> memref<50x128xf32, #tpu.memory_space<vmem>>
    %dma_start3A_8 = arith.constant 0 : i32
    %dma_start3A_9 = tpu.memref_slice %arg5[%dma_start3A, %dma_start3A_8] : memref<128x50xi32, #tpu.memory_space<vmem>> -> memref<1x50xi32, #tpu.memory_space<vmem>>
    %dma_start3A_10 = tpu.memref_squeeze %dma_start3A_9 : memref<1x50xi32, #tpu.memory_space<vmem>> -> memref<50xi32, #tpu.memory_space<vmem>>
    %dma_start3A_11 = arith.constant 0 : i32
    %dma_start3A_12 = arith.constant 0 : i32
    %dma_start3A_13 = tpu.memref_slice %arg3[%dma_start3A_11, %dma_start3A_12] : memref<101000x128xf32, #tpu.memory_space<hbm>> -> memref<101000x128xf32, #tpu.memory_space<hbm>>
    tpu.enqueue_indirect_dma source(%dma_start3A_13 : memref<101000x128xf32, #tpu.memory_space<hbm>>) target(%dma_start3A_7 : memref<50x128xf32, #tpu.memory_space<vmem>>) offsets(%dma_start3A_10 : memref<50xi32, #tpu.memory_space<vmem>>) semaphore(%arg8 : memref<!tpu.dma_semaphore, #tpu.memory_space<semaphore_mem>>)
    %dma_start3A_14 = arith.constant 1 : i32
    %dma_start3A_15 = arith.constant 1 : i32
    %dma_start3A_16 = arith.constant 0 : i32
    %dma_start3A_17 = arith.constant 0 : i32
    %dma_start3A_18 = tpu.memref_slice %arg6[%dma_start3A_15, %dma_start3A_16, %dma_start3A_17] : memref<8x50x128xf32, #tpu.memory_space<vmem>> -> memref<1x50x128xf32, #tpu.memory_space<vmem>>
    %dma_start3A_19 = tpu.memref_squeeze %dma_start3A_18 : memref<1x50x128xf32, #tpu.memory_space<vmem>> -> memref<50x128xf32, #tpu.memory_space<vmem>>
    %dma_start3A_20 = arith.constant 0 : i32
    %dma_start3A_21 = tpu.memref_slice %arg5[%dma_start3A_14, %dma_start3A_20] : memref<128x50xi32, #tpu.memory_space<vmem>> -> memref<1x50xi32, #tpu.memory_space<vmem>>
    %dma_start3A_22 = tpu.memref_squeeze %dma_start3A_21 : memref<1x50xi32, #tpu.memory_space<vmem>> -> memref<50xi32, #tpu.memory_space<vmem>>
    %dma_start3A_23 = arith.constant 0 : i32
    %dma_start3A_24 = arith.constant 0 : i32
    %dma_start3A_25 = tpu.memref_slice %arg3[%dma_start3A_23, %dma_start3A_24] : memref<101000x128xf32, #tpu.memory_space<hbm>> -> memref<101000x128xf32, #tpu.memory_space<hbm>>
    tpu.enqueue_indirect_dma source(%dma_start3A_25 : memref<101000x128xf32, #tpu.memory_space<hbm>>) target(%dma_start3A_19 : memref<50x128xf32, #tpu.memory_space<vmem>>) offsets(%dma_start3A_22 : memref<50xi32, #tpu.memory_space<vmem>>) semaphore(%arg9 : memref<!tpu.dma_semaphore, #tpu.memory_space<semaphore_mem>>)
    %dma_start3A_26 = arith.constant 2 : i32
    %dma_start3A_27 = arith.constant 2 : i32
    %dma_start3A_28 = arith.constant 0 : i32
    %dma_start3A_29 = arith.constant 0 : i32
    %dma_start3A_30 = tpu.memref_slice %arg6[%dma_start3A_27, %dma_start3A_28, %dma_start3A_29] : memref<8x50x128xf32, #tpu.memory_space<vmem>> -> memref<1x50x128xf32, #tpu.memory_space<vmem>>
    %dma_start3A_31 = tpu.memref_squeeze %dma_start3A_30 : memref<1x50x128xf32, #tpu.memory_space<vmem>> -> memref<50x128xf32, #tpu.memory_space<vmem>>
    %dma_start3A_32 = arith.constant 0 : i32
    %dma_start3A_33 = tpu.memref_slice %arg5[%dma_start3A_26, %dma_start3A_32] : memref<128x50xi32, #tpu.memory_space<vmem>> -> memref<1x50xi32, #tpu.memory_space<vmem>>
    %dma_start3A_34 = tpu.memref_squeeze %dma_start3A_33 : memref<1x50xi32, #tpu.memory_space<vmem>> -> memref<50xi32, #tpu.memory_space<vmem>>
    %dma_start3A_35 = arith.constant 0 : i32
    %dma_start3A_36 = arith.constant 0 : i32
    %dma_start3A_37 = tpu.memref_slice %arg3[%dma_start3A_35, %dma_start3A_36] : memref<101000x128xf32, #tpu.memory_space<hbm>> -> memref<101000x128xf32, #tpu.memory_space<hbm>>
    tpu.enqueue_indirect_dma source(%dma_start3A_37 : memref<101000x128xf32, #tpu.memory_space<hbm>>) target(%dma_start3A_31 : memref<50x128xf32, #tpu.memory_space<vmem>>) offsets(%dma_start3A_34 : memref<50xi32, #tpu.memory_space<vmem>>) semaphore(%arg10 : memref<!tpu.dma_semaphore, #tpu.memory_space<semaphore_mem>>)
    %dma_start3A_38 = arith.constant 3 : i32
    %dma_start3A_39 = arith.constant 3 : i32
    %dma_start3A_40 = arith.constant 0 : i32
    %dma_start3A_41 = arith.constant 0 : i32
    %dma_start3A_42 = tpu.memref_slice %arg6[%dma_start3A_39, %dma_start3A_40, %dma_start3A_41] : memref<8x50x128xf32, #tpu.memory_space<vmem>> -> memref<1x50x128xf32, #tpu.memory_space<vmem>>
    %dma_start3A_43 = tpu.memref_squeeze %dma_start3A_42 : memref<1x50x128xf32, #tpu.memory_space<vmem>> -> memref<50x128xf32, #tpu.memory_space<vmem>>
    %dma_start3A_44 = arith.constant 0 : i32
    %dma_start3A_45 = tpu.memref_slice %arg5[%dma_start3A_38, %dma_start3A_44] : memref<128x50xi32, #tpu.memory_space<vmem>> -> memref<1x50xi32, #tpu.memory_space<vmem>>
    %dma_start3A_46 = tpu.memref_squeeze %dma_start3A_45 : memref<1x50xi32, #tpu.memory_space<vmem>> -> memref<50xi32, #tpu.memory_space<vmem>>
    %dma_start3A_47 = arith.constant 0 : i32
    %dma_start3A_48 = arith.constant 0 : i32
    %dma_start3A_49 = tpu.memref_slice %arg3[%dma_start3A_47, %dma_start3A_48] : memref<101000x128xf32, #tpu.memory_space<hbm>> -> memref<101000x128xf32, #tpu.memory_space<hbm>>
    tpu.enqueue_indirect_dma source(%dma_start3A_49 : memref<101000x128xf32, #tpu.memory_space<hbm>>) target(%dma_start3A_43 : memref<50x128xf32, #tpu.memory_space<vmem>>) offsets(%dma_start3A_46 : memref<50xi32, #tpu.memory_space<vmem>>) semaphore(%arg11 : memref<!tpu.dma_semaphore, #tpu.memory_space<semaphore_mem>>)
    %dma_start3A_50 = arith.constant 4 : i32
    %dma_start3A_51 = arith.constant 4 : i32
    %dma_start3A_52 = arith.constant 0 : i32
    %dma_start3A_53 = arith.constant 0 : i32
    %dma_start3A_54 = tpu.memref_slice %arg6[%dma_start3A_51, %dma_start3A_52, %dma_start3A_53] : memref<8x50x128xf32, #tpu.memory_space<vmem>> -> memref<1x50x128xf32, #tpu.memory_space<vmem>>
    %dma_start3A_55 = tpu.memref_squeeze %dma_start3A_54 : memref<1x50x128xf32, #tpu.memory_space<vmem>> -> memref<50x128xf32, #tpu.memory_space<vmem>>
    %dma_start3A_56 = arith.constant 0 : i32
    %dma_start3A_57 = tpu.memref_slice %arg5[%dma_start3A_50, %dma_start3A_56] : memref<128x50xi32, #tpu.memory_space<vmem>> -> memref<1x50xi32, #tpu.memory_space<vmem>>
    %dma_start3A_58 = tpu.memref_squeeze %dma_start3A_57 : memref<1x50xi32, #tpu.memory_space<vmem>> -> memref<50xi32, #tpu.memory_space<vmem>>
    %dma_start3A_59 = arith.constant 0 : i32
    %dma_start3A_60 = arith.constant 0 : i32
    %dma_start3A_61 = tpu.memref_slice %arg3[%dma_start3A_59, %dma_start3A_60] : memref<101000x128xf32, #tpu.memory_space<hbm>> -> memref<101000x128xf32, #tpu.memory_space<hbm>>
    tpu.enqueue_indirect_dma source(%dma_start3A_61 : memref<101000x128xf32, #tpu.memory_space<hbm>>) target(%dma_start3A_55 : memref<50x128xf32, #tpu.memory_space<vmem>>) offsets(%dma_start3A_58 : memref<50xi32, #tpu.memory_space<vmem>>) semaphore(%arg12 : memref<!tpu.dma_semaphore, #tpu.memory_space<semaphore_mem>>)
    %dma_start3A_62 = arith.constant 5 : i32
    %dma_start3A_63 = arith.constant 5 : i32
    %dma_start3A_64 = arith.constant 0 : i32
    %dma_start3A_65 = arith.constant 0 : i32
    %dma_start3A_66 = tpu.memref_slice %arg6[%dma_start3A_63, %dma_start3A_64, %dma_start3A_65] : memref<8x50x128xf32, #tpu.memory_space<vmem>> -> memref<1x50x128xf32, #tpu.memory_space<vmem>>
    %dma_start3A_67 = tpu.memref_squeeze %dma_start3A_66 : memref<1x50x128xf32, #tpu.memory_space<vmem>> -> memref<50x128xf32, #tpu.memory_space<vmem>>
    %dma_start3A_68 = arith.constant 0 : i32
    %dma_start3A_69 = tpu.memref_slice %arg5[%dma_start3A_62, %dma_start3A_68] : memref<128x50xi32, #tpu.memory_space<vmem>> -> memref<1x50xi32, #tpu.memory_space<vmem>>
    %dma_start3A_70 = tpu.memref_squeeze %dma_start3A_69 : memref<1x50xi32, #tpu.memory_space<vmem>> -> memref<50xi32, #tpu.memory_space<vmem>>
    %dma_start3A_71 = arith.constant 0 : i32
    %dma_start3A_72 = arith.constant 0 : i32
    %dma_start3A_73 = tpu.memref_slice %arg3[%dma_start3A_71, %dma_start3A_72] : memref<101000x128xf32, #tpu.memory_space<hbm>> -> memref<101000x128xf32, #tpu.memory_space<hbm>>
    tpu.enqueue_indirect_dma source(%dma_start3A_73 : memref<101000x128xf32, #tpu.memory_space<hbm>>) target(%dma_start3A_67 : memref<50x128xf32, #tpu.memory_space<vmem>>) offsets(%dma_start3A_70 : memref<50xi32, #tpu.memory_space<vmem>>) semaphore(%arg13 : memref<!tpu.dma_semaphore, #tpu.memory_space<semaphore_mem>>)
    %dma_start3A_74 = arith.constant 6 : i32
    %dma_start3A_75 = arith.constant 6 : i32
    %dma_start3A_76 = arith.constant 0 : i32
    %dma_start3A_77 = arith.constant 0 : i32
    %dma_start3A_78 = tpu.memref_slice %arg6[%dma_start3A_75, %dma_start3A_76, %dma_start3A_77] : memref<8x50x128xf32, #tpu.memory_space<vmem>> -> memref<1x50x128xf32, #tpu.memory_space<vmem>>
    %dma_start3A_79 = tpu.memref_squeeze %dma_start3A_78 : memref<1x50x128xf32, #tpu.memory_space<vmem>> -> memref<50x128xf32, #tpu.memory_space<vmem>>
    %dma_start3A_80 = arith.constant 0 : i32
    %dma_start3A_81 = tpu.memref_slice %arg5[%dma_start3A_74, %dma_start3A_80] : memref<128x50xi32, #tpu.memory_space<vmem>> -> memref<1x50xi32, #tpu.memory_space<vmem>>
    %dma_start3A_82 = tpu.memref_squeeze %dma_start3A_81 : memref<1x50xi32, #tpu.memory_space<vmem>> -> memref<50xi32, #tpu.memory_space<vmem>>
    %dma_start3A_83 = arith.constant 0 : i32
    %dma_start3A_84 = arith.constant 0 : i32
    %dma_start3A_85 = tpu.memref_slice %arg3[%dma_start3A_83, %dma_start3A_84] : memref<101000x128xf32, #tpu.memory_space<hbm>> -> memref<101000x128xf32, #tpu.memory_space<hbm>>
    tpu.enqueue_indirect_dma source(%dma_start3A_85 : memref<101000x128xf32, #tpu.memory_space<hbm>>) target(%dma_start3A_79 : memref<50x128xf32, #tpu.memory_space<vmem>>) offsets(%dma_start3A_82 : memref<50xi32, #tpu.memory_space<vmem>>) semaphore(%arg14 : memref<!tpu.dma_semaphore, #tpu.memory_space<semaphore_mem>>)
    %dma_start3A_86 = arith.constant 7 : i32
    %dma_start3A_87 = arith.constant 7 : i32
    %dma_start3A_88 = arith.constant 0 : i32
    %dma_start3A_89 = arith.constant 0 : i32
    %dma_start3A_90 = tpu.memref_slice %arg6[%dma_start3A_87, %dma_start3A_88, %dma_start3A_89] : memref<8x50x128xf32, #tpu.memory_space<vmem>> -> memref<1x50x128xf32, #tpu.memory_space<vmem>>
    %dma_start3A_91 = tpu.memref_squeeze %dma_start3A_90 : memref<1x50x128xf32, #tpu.memory_space<vmem>> -> memref<50x128xf32, #tpu.memory_space<vmem>>
    %dma_start3A_92 = arith.constant 0 : i32
    %dma_start3A_93 = tpu.memref_slice %arg5[%dma_start3A_86, %dma_start3A_92] : memref<128x50xi32, #tpu.memory_space<vmem>> -> memref<1x50xi32, #tpu.memory_space<vmem>>
    %dma_start3A_94 = tpu.memref_squeeze %dma_start3A_93 : memref<1x50xi32, #tpu.memory_space<vmem>> -> memref<50xi32, #tpu.memory_space<vmem>>
    %dma_start3A_95 = arith.constant 0 : i32
    %dma_start3A_96 = arith.constant 0 : i32
    %dma_start3A_97 = tpu.memref_slice %arg3[%dma_start3A_95, %dma_start3A_96] : memref<101000x128xf32, #tpu.memory_space<hbm>> -> memref<101000x128xf32, #tpu.memory_space<hbm>>
    tpu.enqueue_indirect_dma source(%dma_start3A_97 : memref<101000x128xf32, #tpu.memory_space<hbm>>) target(%dma_start3A_91 : memref<50x128xf32, #tpu.memory_space<vmem>>) offsets(%dma_start3A_94 : memref<50xi32, #tpu.memory_space<vmem>>) semaphore(%arg15 : memref<!tpu.dma_semaphore, #tpu.memory_space<semaphore_mem>>)
    %scan3A = arith.constant 0 : i32
    %scan3A_98 = arith.constant 0 : i32
    %scan3A_99 = arith.constant 16 : i32
    %scan3A_100 = arith.addi %scan3A_98, %scan3A_99 : i32
    %scan3A_101 = arith.constant 1 : i32
    scf.for %scan3A_105 = %scan3A_98 to %scan3A_100 step %scan3A_101  : i32 {
      %mul3A_106 = arith.constant 8 : i32
      %mul3A_107 = arith.muli %mul3A_106, %scan3A_105 : i32
      %add3A_108 = arith.constant 0 : i32
      %add3A_109 = arith.addi %mul3A_107, %add3A_108 : i32
      %dma_wait3A = arith.constant 0 : i32
      %dma_wait3A_110 = arith.constant 0 : i32
      %dma_wait3A_111 = arith.constant 0 : i32
      %dma_wait3A_112 = tpu.memref_slice %arg6[%dma_wait3A, %dma_wait3A_110, %dma_wait3A_111] : memref<8x50x128xf32, #tpu.memory_space<vmem>> -> memref<1x50x128xf32, #tpu.memory_space<vmem>>
      %dma_wait3A_113 = tpu.memref_squeeze %dma_wait3A_112 : memref<1x50x128xf32, #tpu.memory_space<vmem>> -> memref<50x128xf32, #tpu.memory_space<vmem>>
      %dma_wait3A_114 = arith.constant 0 : i32
      %dma_wait3A_115 = tpu.memref_slice %arg5[%add3A_109, %dma_wait3A_114] : memref<128x50xi32, #tpu.memory_space<vmem>> -> memref<1x50xi32, #tpu.memory_space<vmem>>
      %dma_wait3A_116 = tpu.memref_squeeze %dma_wait3A_115 : memref<1x50xi32, #tpu.memory_space<vmem>> -> memref<50xi32, #tpu.memory_space<vmem>>
      %dma_wait3A_117 = arith.constant 0 : i32
      %dma_wait3A_118 = arith.constant 0 : i32
      %dma_wait3A_119 = tpu.memref_slice %arg3[%dma_wait3A_117, %dma_wait3A_118] : memref<101000x128xf32, #tpu.memory_space<hbm>> -> memref<101000x128xf32, #tpu.memory_space<hbm>>
      tpu.wait_indirect_dma semaphore(%arg8 : memref<!tpu.dma_semaphore, #tpu.memory_space<semaphore_mem>>) src(%dma_wait3A_119 : memref<101000x128xf32, #tpu.memory_space<hbm>>) dst(%dma_wait3A_113 : memref<50x128xf32, #tpu.memory_space<vmem>>)
      %broadcast_in_dim3A = arith.constant 0.000000e+00 : f32
      %broadcast_in_dim3A_120 = vector.broadcast %broadcast_in_dim3A : f32 to vector<16xf32>
      %broadcast_in_dim3A_121 = arith.constant 0.000000e+00 : f32
      %broadcast_in_dim3A_122 = vector.broadcast %broadcast_in_dim3A_121 : f32 to vector<16xf32>
      %broadcast_in_dim3A_123 = arith.constant 0.000000e+00 : f32
      %broadcast_in_dim3A_124 = vector.broadcast %broadcast_in_dim3A_123 : f32 to vector<16xf32>
      %broadcast_in_dim3A_125 = arith.constant 0.000000e+00 : f32
      %broadcast_in_dim3A_126 = vector.broadcast %broadcast_in_dim3A_125 : f32 to vector<16xf32>
      %broadcast_in_dim3A_127 = arith.constant 0.000000e+00 : f32
      %broadcast_in_dim3A_128 = vector.broadcast %broadcast_in_dim3A_127 : f32 to vector<16xf32>
      %broadcast_in_dim3A_129 = arith.constant 0.000000e+00 : f32
      %broadcast_in_dim3A_130 = vector.broadcast %broadcast_in_dim3A_129 : f32 to vector<16xf32>
      %broadcast_in_dim3A_131 = arith.constant 0.000000e+00 : f32
      %broadcast_in_dim3A_132 = vector.broadcast %broadcast_in_dim3A_131 : f32 to vector<16xf32>
      %broadcast_in_dim3A_133 = arith.constant 0.000000e+00 : f32
      %broadcast_in_dim3A_134 = vector.broadcast %broadcast_in_dim3A_133 : f32 to vector<16xf32>
      %scan3A_135 = arith.constant 0 : i32
      %scan3A_136 = arith.constant 50 : i32
      %scan3A_137 = arith.addi %scan3A_135, %scan3A_136 : i32
      %scan3A_138 = arith.constant 1 : i32
      %scan3A_139:8 = scf.for %scan3A_788 = %scan3A_135 to %scan3A_137 step %scan3A_138 iter_args(%scan3A_789 = %broadcast_in_dim3A_120, %scan3A_790 = %broadcast_in_dim3A_122, %scan3A_791 = %broadcast_in_dim3A_124, %scan3A_792 = %broadcast_in_dim3A_126, %scan3A_793 = %broadcast_in_dim3A_128, %scan3A_794 = %broadcast_in_dim3A_130, %scan3A_795 = %broadcast_in_dim3A_132, %scan3A_796 = %broadcast_in_dim3A_134) -> (vector<16xf32>, vector<16xf32>, vector<16xf32>, vector<16xf32>, vector<16xf32>, vector<16xf32>, vector<16xf32>, vector<16xf32>)  : i32 {
        %mul3A_797 = arith.constant 1 : i32
        %mul3A_798 = arith.muli %scan3A_788, %mul3A_797 : i32
        %add3A_799 = arith.constant 0 : i32
        %add3A_800 = arith.addi %add3A_799, %mul3A_798 : i32
        %add3A_801 = arith.constant 0 : i32
        %add3A_802 = arith.addi %add3A_800, %add3A_801 : i32
        %get3A = arith.constant 0 : i32
        %get3A_803 = arith.index_cast %get3A : i32 to index
        %get3A_804 = arith.index_cast %add3A_802 : i32 to index
        %get3A_805 = arith.constant 0 : index
        %get3A_806 = tpu.vector_load %arg6[%get3A_803, %get3A_804, %get3A_805] {strides = array<i32>} : memref<8x50x128xf32, #tpu.memory_space<vmem>>, vector<1x1x16xf32>,
        %get3A_807 = vector.shape_cast %get3A_806 : vector<1x1x16xf32> to vector<16xf32>
        %add3A_808 = arith.addf %scan3A_789, %get3A_807 : vector<16xf32>
        %add3A_809 = arith.constant 0 : i32
        %add3A_810 = arith.addi %add3A_800, %add3A_809 : i32
        %get3A_811 = arith.constant 0 : i32
        %get3A_812 = arith.index_cast %get3A_811 : i32 to index
        %get3A_813 = arith.index_cast %add3A_810 : i32 to index
        %get3A_814 = arith.constant 16 : index
        %get3A_815 = tpu.vector_load %arg6[%get3A_812, %get3A_813, %get3A_814] {strides = array<i32>} : memref<8x50x128xf32, #tpu.memory_space<vmem>>, vector<1x1x16xf32>,
        %get3A_816 = vector.shape_cast %get3A_815 : vector<1x1x16xf32> to vector<16xf32>
        %add3A_817 = arith.addf %scan3A_790, %get3A_816 : vector<16xf32>
        %add3A_818 = arith.constant 0 : i32
        %add3A_819 = arith.addi %add3A_800, %add3A_818 : i32
        %get3A_820 = arith.constant 0 : i32
        %get3A_821 = arith.index_cast %get3A_820 : i32 to index
        %get3A_822 = arith.index_cast %add3A_819 : i32 to index
        %get3A_823 = arith.constant 32 : index
        %get3A_824 = tpu.vector_load %arg6[%get3A_821, %get3A_822, %get3A_823] {strides = array<i32>} : memref<8x50x128xf32, #tpu.memory_space<vmem>>, vector<1x1x16xf32>,
        %get3A_825 = vector.shape_cast %get3A_824 : vector<1x1x16xf32> to vector<16xf32>
        %add3A_826 = arith.addf %scan3A_791, %get3A_825 : vector<16xf32>
        %add3A_827 = arith.constant 0 : i32
        %add3A_828 = arith.addi %add3A_800, %add3A_827 : i32
        %get3A_829 = arith.constant 0 : i32
        %get3A_830 = arith.index_cast %get3A_829 : i32 to index
        %get3A_831 = arith.index_cast %add3A_828 : i32 to index
        %get3A_832 = arith.constant 48 : index
        %get3A_833 = tpu.vector_load %arg6[%get3A_830, %get3A_831, %get3A_832] {strides = array<i32>} : memref<8x50x128xf32, #tpu.memory_space<vmem>>, vector<1x1x16xf32>,
        %get3A_834 = vector.shape_cast %get3A_833 : vector<1x1x16xf32> to vector<16xf32>
        %add3A_835 = arith.addf %scan3A_792, %get3A_834 : vector<16xf32>
        %add3A_836 = arith.constant 0 : i32
        %add3A_837 = arith.addi %add3A_800, %add3A_836 : i32
        %get3A_838 = arith.constant 0 : i32
        %get3A_839 = arith.index_cast %get3A_838 : i32 to index
        %get3A_840 = arith.index_cast %add3A_837 : i32 to index
        %get3A_841 = arith.constant 64 : index
        %get3A_842 = tpu.vector_load %arg6[%get3A_839, %get3A_840, %get3A_841] {strides = array<i32>} : memref<8x50x128xf32, #tpu.memory_space<vmem>>, vector<1x1x16xf32>,
        %get3A_843 = vector.shape_cast %get3A_842 : vector<1x1x16xf32> to vector<16xf32>
        %add3A_844 = arith.addf %scan3A_793, %get3A_843 : vector<16xf32>
        %add3A_845 = arith.constant 0 : i32
        %add3A_846 = arith.addi %add3A_800, %add3A_845 : i32
        %get3A_847 = arith.constant 0 : i32
        %get3A_848 = arith.index_cast %get3A_847 : i32 to index
        %get3A_849 = arith.index_cast %add3A_846 : i32 to index
        %get3A_850 = arith.constant 80 : index
        %get3A_851 = tpu.vector_load %arg6[%get3A_848, %get3A_849, %get3A_850] {strides = array<i32>} : memref<8x50x128xf32, #tpu.memory_space<vmem>>, vector<1x1x16xf32>,
        %get3A_852 = vector.shape_cast %get3A_851 : vector<1x1x16xf32> to vector<16xf32>
        %add3A_853 = arith.addf %scan3A_794, %get3A_852 : vector<16xf32>
        %add3A_854 = arith.constant 0 : i32
        %add3A_855 = arith.addi %add3A_800, %add3A_854 : i32
        %get3A_856 = arith.constant 0 : i32
        %get3A_857 = arith.index_cast %get3A_856 : i32 to index
        %get3A_858 = arith.index_cast %add3A_855 : i32 to index
        %get3A_859 = arith.constant 96 : index
        %get3A_860 = tpu.vector_load %arg6[%get3A_857, %get3A_858, %get3A_859] {strides = array<i32>} : memref<8x50x128xf32, #tpu.memory_space<vmem>>, vector<1x1x16xf32>,
        %get3A_861 = vector.shape_cast %get3A_860 : vector<1x1x16xf32> to vector<16xf32>
        %add3A_862 = arith.addf %scan3A_795, %get3A_861 : vector<16xf32>
        %add3A_863 = arith.constant 0 : i32
        %add3A_864 = arith.addi %add3A_800, %add3A_863 : i32
        %get3A_865 = arith.constant 0 : i32
        %get3A_866 = arith.index_cast %get3A_865 : i32 to index
        %get3A_867 = arith.index_cast %add3A_864 : i32 to index
        %get3A_868 = arith.constant 112 : index
        %get3A_869 = tpu.vector_load %arg6[%get3A_866, %get3A_867, %get3A_868] {strides = array<i32>} : memref<8x50x128xf32, #tpu.memory_space<vmem>>, vector<1x1x16xf32>,
        %get3A_870 = vector.shape_cast %get3A_869 : vector<1x1x16xf32> to vector<16xf32>
        %add3A_871 = arith.addf %scan3A_796, %get3A_870 : vector<16xf32>
        scf.yield %add3A_808, %add3A_817, %add3A_826, %add3A_835, %add3A_844, %add3A_853, %add3A_862, %add3A_871 : vector<16xf32>, vector<16xf32>, vector<16xf32>, vector<16xf32>, vector<16xf32>, vector<16xf32>, vector<16xf32>, vector<16xf32>
      }
      %scan3A_140 = arith.constant 50 : i32
      %mul3A_141 = arith.constant 1 : i32
      %mul3A_142 = arith.muli %add3A_109, %mul3A_141 : i32
      %add3A_143 = arith.constant 0 : i32
      %add3A_144 = arith.addi %mul3A_142, %add3A_143 : i32
      %swap3A = arith.index_cast %add3A_144 : i32 to index
      %swap3A_145 = arith.constant 0 : index
      %swap3A_146 = tpu.vector_load %arg7[%swap3A, %swap3A_145] {strides = array<i32>} : memref<128x128xf32, #tpu.memory_space<vmem>>, vector<1x16xf32>,
      %swap3A_147 = vector.shape_cast %swap3A_146 : vector<1x16xf32> to vector<16xf32>
      %swap3A_148 = vector.shape_cast %scan3A_139#0 : vector<16xf32> to vector<1x16xf32>
      tpu.vector_store %arg7[%swap3A, %swap3A_145], %swap3A_148 {strides = array<i32>} : memref<128x128xf32, #tpu.memory_space<vmem>>, vector<1x16xf32>,
      %swap3A_149 = arith.index_cast %add3A_144 : i32 to index
      %swap3A_150 = arith.constant 16 : index
      %swap3A_151 = tpu.vector_load %arg7[%swap3A_149, %swap3A_150] {strides = array<i32>} : memref<128x128xf32, #tpu.memory_space<vmem>>, vector<1x16xf32>,
      %swap3A_152 = vector.shape_cast %swap3A_151 : vector<1x16xf32> to vector<16xf32>
      %swap3A_153 = vector.shape_cast %scan3A_139#1 : vector<16xf32> to vector<1x16xf32>
      tpu.vector_store %arg7[%swap3A_149, %swap3A_150], %swap3A_153 {strides = array<i32>} : memref<128x128xf32, #tpu.memory_space<vmem>>, vector<1x16xf32>,
      %swap3A_154 = arith.index_cast %add3A_144 : i32 to index
      %swap3A_155 = arith.constant 32 : index
      %swap3A_156 = tpu.vector_load %arg7[%swap3A_154, %swap3A_155] {strides = array<i32>} : memref<128x128xf32, #tpu.memory_space<vmem>>, vector<1x16xf32>,
      %swap3A_157 = vector.shape_cast %swap3A_156 : vector<1x16xf32> to vector<16xf32>
      %swap3A_158 = vector.shape_cast %scan3A_139#2 : vector<16xf32> to vector<1x16xf32>
      tpu.vector_store %arg7[%swap3A_154, %swap3A_155], %swap3A_158 {strides = array<i32>} : memref<128x128xf32, #tpu.memory_space<vmem>>, vector<1x16xf32>,
      %swap3A_159 = arith.index_cast %add3A_144 : i32 to index
      %swap3A_160 = arith.constant 48 : index
      %swap3A_161 = tpu.vector_load %arg7[%swap3A_159, %swap3A_160] {strides = array<i32>} : memref<128x128xf32, #tpu.memory_space<vmem>>, vector<1x16xf32>,
      %swap3A_162 = vector.shape_cast %swap3A_161 : vector<1x16xf32> to vector<16xf32>
      %swap3A_163 = vector.shape_cast %scan3A_139#3 : vector<16xf32> to vector<1x16xf32>
      tpu.vector_store %arg7[%swap3A_159, %swap3A_160], %swap3A_163 {strides = array<i32>} : memref<128x128xf32, #tpu.memory_space<vmem>>, vector<1x16xf32>,
      %swap3A_164 = arith.index_cast %add3A_144 : i32 to index
      %swap3A_165 = arith.constant 64 : index
      %swap3A_166 = tpu.vector_load %arg7[%swap3A_164, %swap3A_165] {strides = array<i32>} : memref<128x128xf32, #tpu.memory_space<vmem>>, vector<1x16xf32>,
      %swap3A_167 = vector.shape_cast %swap3A_166 : vector<1x16xf32> to vector<16xf32>
      %swap3A_168 = vector.shape_cast %scan3A_139#4 : vector<16xf32> to vector<1x16xf32>
      tpu.vector_store %arg7[%swap3A_164, %swap3A_165], %swap3A_168 {strides = array<i32>} : memref<128x128xf32, #tpu.memory_space<vmem>>, vector<1x16xf32>,
      %swap3A_169 = arith.index_cast %add3A_144 : i32 to index
      %swap3A_170 = arith.constant 80 : index
      %swap3A_171 = tpu.vector_load %arg7[%swap3A_169, %swap3A_170] {strides = array<i32>} : memref<128x128xf32, #tpu.memory_space<vmem>>, vector<1x16xf32>,
      %swap3A_172 = vector.shape_cast %swap3A_171 : vector<1x16xf32> to vector<16xf32>
      %swap3A_173 = vector.shape_cast %scan3A_139#5 : vector<16xf32> to vector<1x16xf32>
      tpu.vector_store %arg7[%swap3A_169, %swap3A_170], %swap3A_173 {strides = array<i32>} : memref<128x128xf32, #tpu.memory_space<vmem>>, vector<1x16xf32>,
      %swap3A_174 = arith.index_cast %add3A_144 : i32 to index
      %swap3A_175 = arith.constant 96 : index
      %swap3A_176 = tpu.vector_load %arg7[%swap3A_174, %swap3A_175] {strides = array<i32>} : memref<128x128xf32, #tpu.memory_space<vmem>>, vector<1x16xf32>,
      %swap3A_177 = vector.shape_cast %swap3A_176 : vector<1x16xf32> to vector<16xf32>
      %swap3A_178 = vector.shape_cast %scan3A_139#6 : vector<16xf32> to vector<1x16xf32>
      tpu.vector_store %arg7[%swap3A_174, %swap3A_175], %swap3A_178 {strides = array<i32>} : memref<128x128xf32, #tpu.memory_space<vmem>>, vector<1x16xf32>,
      %swap3A_179 = arith.index_cast %add3A_144 : i32 to index
      %swap3A_180 = arith.constant 112 : index
      %swap3A_181 = tpu.vector_load %arg7[%swap3A_179, %swap3A_180] {strides = array<i32>} : memref<128x128xf32, #tpu.memory_space<vmem>>, vector<1x16xf32>,
      %swap3A_182 = vector.shape_cast %swap3A_181 : vector<1x16xf32> to vector<16xf32>
      %swap3A_183 = vector.shape_cast %scan3A_139#7 : vector<16xf32> to vector<1x16xf32>
      tpu.vector_store %arg7[%swap3A_179, %swap3A_180], %swap3A_183 {strides = array<i32>} : memref<128x128xf32, #tpu.memory_space<vmem>>, vector<1x16xf32>,
      %lt3A = arith.constant 15 : i32
      %lt3A_184 = arith.cmpi slt, %scan3A_105, %lt3A : i32
      %convert_element_type3A = arith.extui %lt3A_184 : i1 to i32
      %cond3A = arith.constant 0 : i32
      %cond3A_185 = arith.cmpi ne, %convert_element_type3A, %cond3A : i32
      scf.if %cond3A_185 {
        %add3A_788 = arith.constant 8 : i32
        %add3A_789 = arith.addi %add3A_109, %add3A_788 : i32
        %dma_start3A_790 = arith.constant 0 : i32
        %dma_start3A_791 = arith.constant 0 : i32
        %dma_start3A_792 = arith.constant 0 : i32
        %dma_start3A_793 = tpu.memref_slice %arg6[%dma_start3A_790, %dma_start3A_791, %dma_start3A_792] : memref<8x50x128xf32, #tpu.memory_space<vmem>> -> memref<1x50x128xf32, #tpu.memory_space<vmem>>
        %dma_start3A_794 = tpu.memref_squeeze %dma_start3A_793 : memref<1x50x128xf32, #tpu.memory_space<vmem>> -> memref<50x128xf32, #tpu.memory_space<vmem>>
        %dma_start3A_795 = arith.constant 0 : i32
        %dma_start3A_796 = tpu.memref_slice %arg5[%add3A_789, %dma_start3A_795] : memref<128x50xi32, #tpu.memory_space<vmem>> -> memref<1x50xi32, #tpu.memory_space<vmem>>
        %dma_start3A_797 = tpu.memref_squeeze %dma_start3A_796 : memref<1x50xi32, #tpu.memory_space<vmem>> -> memref<50xi32, #tpu.memory_space<vmem>>
        %dma_start3A_798 = arith.constant 0 : i32
        %dma_start3A_799 = arith.constant 0 : i32
        %dma_start3A_800 = tpu.memref_slice %arg3[%dma_start3A_798, %dma_start3A_799] : memref<101000x128xf32, #tpu.memory_space<hbm>> -> memref<101000x128xf32, #tpu.memory_space<hbm>>
        tpu.enqueue_indirect_dma source(%dma_start3A_800 : memref<101000x128xf32, #tpu.memory_space<hbm>>) target(%dma_start3A_794 : memref<50x128xf32, #tpu.memory_space<vmem>>) offsets(%dma_start3A_797 : memref<50xi32, #tpu.memory_space<vmem>>) semaphore(%arg8 : memref<!tpu.dma_semaphore, #tpu.memory_space<semaphore_mem>>)
      } else {
      }
      %mul3A_186 = arith.constant 8 : i32
      %mul3A_187 = arith.muli %mul3A_186, %scan3A_105 : i32
      %add3A_188 = arith.constant 1 : i32
      %add3A_189 = arith.addi %mul3A_187, %add3A_188 : i32
      %dma_wait3A_190 = arith.constant 1 : i32
      %dma_wait3A_191 = arith.constant 0 : i32
      %dma_wait3A_192 = arith.constant 0 : i32
      %dma_wait3A_193 = tpu.memref_slice %arg6[%dma_wait3A_190, %dma_wait3A_191, %dma_wait3A_192] : memref<8x50x128xf32, #tpu.memory_space<vmem>> -> memref<1x50x128xf32, #tpu.memory_space<vmem>>
      %dma_wait3A_194 = tpu.memref_squeeze %dma_wait3A_193 : memref<1x50x128xf32, #tpu.memory_space<vmem>> -> memref<50x128xf32, #tpu.memory_space<vmem>>
      %dma_wait3A_195 = arith.constant 0 : i32
      %dma_wait3A_196 = tpu.memref_slice %arg5[%add3A_189, %dma_wait3A_195] : memref<128x50xi32, #tpu.memory_space<vmem>> -> memref<1x50xi32, #tpu.memory_space<vmem>>
      %dma_wait3A_197 = tpu.memref_squeeze %dma_wait3A_196 : memref<1x50xi32, #tpu.memory_space<vmem>> -> memref<50xi32, #tpu.memory_space<vmem>>
      %dma_wait3A_198 = arith.constant 0 : i32
      %dma_wait3A_199 = arith.constant 0 : i32
      %dma_wait3A_200 = tpu.memref_slice %arg3[%dma_wait3A_198, %dma_wait3A_199] : memref<101000x128xf32, #tpu.memory_space<hbm>> -> memref<101000x128xf32, #tpu.memory_space<hbm>>
      tpu.wait_indirect_dma semaphore(%arg9 : memref<!tpu.dma_semaphore, #tpu.memory_space<semaphore_mem>>) src(%dma_wait3A_200 : memref<101000x128xf32, #tpu.memory_space<hbm>>) dst(%dma_wait3A_194 : memref<50x128xf32, #tpu.memory_space<vmem>>)
      %broadcast_in_dim3A_201 = arith.constant 0.000000e+00 : f32
      %broadcast_in_dim3A_202 = vector.broadcast %broadcast_in_dim3A_201 : f32 to vector<16xf32>
      %broadcast_in_dim3A_203 = arith.constant 0.000000e+00 : f32
      %broadcast_in_dim3A_204 = vector.broadcast %broadcast_in_dim3A_203 : f32 to vector<16xf32>
      %broadcast_in_dim3A_205 = arith.constant 0.000000e+00 : f32
      %broadcast_in_dim3A_206 = vector.broadcast %broadcast_in_dim3A_205 : f32 to vector<16xf32>
      %broadcast_in_dim3A_207 = arith.constant 0.000000e+00 : f32
      %broadcast_in_dim3A_208 = vector.broadcast %broadcast_in_dim3A_207 : f32 to vector<16xf32>
      %broadcast_in_dim3A_209 = arith.constant 0.000000e+00 : f32
      %broadcast_in_dim3A_210 = vector.broadcast %broadcast_in_dim3A_209 : f32 to vector<16xf32>
      %broadcast_in_dim3A_211 = arith.constant 0.000000e+00 : f32
      %broadcast_in_dim3A_212 = vector.broadcast %broadcast_in_dim3A_211 : f32 to vector<16xf32>
      %broadcast_in_dim3A_213 = arith.constant 0.000000e+00 : f32
      %broadcast_in_dim3A_214 = vector.broadcast %broadcast_in_dim3A_213 : f32 to vector<16xf32>
      %broadcast_in_dim3A_215 = arith.constant 0.000000e+00 : f32
      %broadcast_in_dim3A_216 = vector.broadcast %broadcast_in_dim3A_215 : f32 to vector<16xf32>
      %scan3A_217 = arith.constant 0 : i32
      %scan3A_218 = arith.constant 50 : i32
      %scan3A_219 = arith.addi %scan3A_217, %scan3A_218 : i32
      %scan3A_220 = arith.constant 1 : i32
      %scan3A_221:8 = scf.for %scan3A_788 = %scan3A_217 to %scan3A_219 step %scan3A_220 iter_args(%scan3A_789 = %broadcast_in_dim3A_202, %scan3A_790 = %broadcast_in_dim3A_204, %scan3A_791 = %broadcast_in_dim3A_206, %scan3A_792 = %broadcast_in_dim3A_208, %scan3A_793 = %broadcast_in_dim3A_210, %scan3A_794 = %broadcast_in_dim3A_212, %scan3A_795 = %broadcast_in_dim3A_214, %scan3A_796 = %broadcast_in_dim3A_216) -> (vector<16xf32>, vector<16xf32>, vector<16xf32>, vector<16xf32>, vector<16xf32>, vector<16xf32>, vector<16xf32>, vector<16xf32>)  : i32 {
        %mul3A_797 = arith.constant 1 : i32
        %mul3A_798 = arith.muli %scan3A_788, %mul3A_797 : i32
        %add3A_799 = arith.constant 0 : i32
        %add3A_800 = arith.addi %add3A_799, %mul3A_798 : i32
        %add3A_801 = arith.constant 0 : i32
        %add3A_802 = arith.addi %add3A_800, %add3A_801 : i32
        %get3A = arith.constant 1 : i32
        %get3A_803 = arith.index_cast %get3A : i32 to index
        %get3A_804 = arith.index_cast %add3A_802 : i32 to index
        %get3A_805 = arith.constant 0 : index
        %get3A_806 = tpu.vector_load %arg6[%get3A_803, %get3A_804, %get3A_805] {strides = array<i32>} : memref<8x50x128xf32, #tpu.memory_space<vmem>>, vector<1x1x16xf32>,
        %get3A_807 = vector.shape_cast %get3A_806 : vector<1x1x16xf32> to vector<16xf32>
        %add3A_808 = arith.addf %scan3A_789, %get3A_807 : vector<16xf32>
        %add3A_809 = arith.constant 0 : i32
        %add3A_810 = arith.addi %add3A_800, %add3A_809 : i32
        %get3A_811 = arith.constant 1 : i32
        %get3A_812 = arith.index_cast %get3A_811 : i32 to index
        %get3A_813 = arith.index_cast %add3A_810 : i32 to index
        %get3A_814 = arith.constant 16 : index
        %get3A_815 = tpu.vector_load %arg6[%get3A_812, %get3A_813, %get3A_814] {strides = array<i32>} : memref<8x50x128xf32, #tpu.memory_space<vmem>>, vector<1x1x16xf32>,
        %get3A_816 = vector.shape_cast %get3A_815 : vector<1x1x16xf32> to vector<16xf32>
        %add3A_817 = arith.addf %scan3A_790, %get3A_816 : vector<16xf32>
        %add3A_818 = arith.constant 0 : i32
        %add3A_819 = arith.addi %add3A_800, %add3A_818 : i32
        %get3A_820 = arith.constant 1 : i32
        %get3A_821 = arith.index_cast %get3A_820 : i32 to index
        %get3A_822 = arith.index_cast %add3A_819 : i32 to index
        %get3A_823 = arith.constant 32 : index
        %get3A_824 = tpu.vector_load %arg6[%get3A_821, %get3A_822, %get3A_823] {strides = array<i32>} : memref<8x50x128xf32, #tpu.memory_space<vmem>>, vector<1x1x16xf32>,
        %get3A_825 = vector.shape_cast %get3A_824 : vector<1x1x16xf32> to vector<16xf32>
        %add3A_826 = arith.addf %scan3A_791, %get3A_825 : vector<16xf32>
        %add3A_827 = arith.constant 0 : i32
        %add3A_828 = arith.addi %add3A_800, %add3A_827 : i32
        %get3A_829 = arith.constant 1 : i32
        %get3A_830 = arith.index_cast %get3A_829 : i32 to index
        %get3A_831 = arith.index_cast %add3A_828 : i32 to index
        %get3A_832 = arith.constant 48 : index
        %get3A_833 = tpu.vector_load %arg6[%get3A_830, %get3A_831, %get3A_832] {strides = array<i32>} : memref<8x50x128xf32, #tpu.memory_space<vmem>>, vector<1x1x16xf32>,
        %get3A_834 = vector.shape_cast %get3A_833 : vector<1x1x16xf32> to vector<16xf32>
        %add3A_835 = arith.addf %scan3A_792, %get3A_834 : vector<16xf32>
        %add3A_836 = arith.constant 0 : i32
        %add3A_837 = arith.addi %add3A_800, %add3A_836 : i32
        %get3A_838 = arith.constant 1 : i32
        %get3A_839 = arith.index_cast %get3A_838 : i32 to index
        %get3A_840 = arith.index_cast %add3A_837 : i32 to index
        %get3A_841 = arith.constant 64 : index
        %get3A_842 = tpu.vector_load %arg6[%get3A_839, %get3A_840, %get3A_841] {strides = array<i32>} : memref<8x50x128xf32, #tpu.memory_space<vmem>>, vector<1x1x16xf32>,
        %get3A_843 = vector.shape_cast %get3A_842 : vector<1x1x16xf32> to vector<16xf32>
        %add3A_844 = arith.addf %scan3A_793, %get3A_843 : vector<16xf32>
        %add3A_845 = arith.constant 0 : i32
        %add3A_846 = arith.addi %add3A_800, %add3A_845 : i32
        %get3A_847 = arith.constant 1 : i32
        %get3A_848 = arith.index_cast %get3A_847 : i32 to index
        %get3A_849 = arith.index_cast %add3A_846 : i32 to index
        %get3A_850 = arith.constant 80 : index
        %get3A_851 = tpu.vector_load %arg6[%get3A_848, %get3A_849, %get3A_850] {strides = array<i32>} : memref<8x50x128xf32, #tpu.memory_space<vmem>>, vector<1x1x16xf32>,
        %get3A_852 = vector.shape_cast %get3A_851 : vector<1x1x16xf32> to vector<16xf32>
        %add3A_853 = arith.addf %scan3A_794, %get3A_852 : vector<16xf32>
        %add3A_854 = arith.constant 0 : i32
        %add3A_855 = arith.addi %add3A_800, %add3A_854 : i32
        %get3A_856 = arith.constant 1 : i32
        %get3A_857 = arith.index_cast %get3A_856 : i32 to index
        %get3A_858 = arith.index_cast %add3A_855 : i32 to index
        %get3A_859 = arith.constant 96 : index
        %get3A_860 = tpu.vector_load %arg6[%get3A_857, %get3A_858, %get3A_859] {strides = array<i32>} : memref<8x50x128xf32, #tpu.memory_space<vmem>>, vector<1x1x16xf32>,
        %get3A_861 = vector.shape_cast %get3A_860 : vector<1x1x16xf32> to vector<16xf32>
        %add3A_862 = arith.addf %scan3A_795, %get3A_861 : vector<16xf32>
        %add3A_863 = arith.constant 0 : i32
        %add3A_864 = arith.addi %add3A_800, %add3A_863 : i32
        %get3A_865 = arith.constant 1 : i32
        %get3A_866 = arith.index_cast %get3A_865 : i32 to index
        %get3A_867 = arith.index_cast %add3A_864 : i32 to index
        %get3A_868 = arith.constant 112 : index
        %get3A_869 = tpu.vector_load %arg6[%get3A_866, %get3A_867, %get3A_868] {strides = array<i32>} : memref<8x50x128xf32, #tpu.memory_space<vmem>>, vector<1x1x16xf32>,
        %get3A_870 = vector.shape_cast %get3A_869 : vector<1x1x16xf32> to vector<16xf32>
        %add3A_871 = arith.addf %scan3A_796, %get3A_870 : vector<16xf32>
        scf.yield %add3A_808, %add3A_817, %add3A_826, %add3A_835, %add3A_844, %add3A_853, %add3A_862, %add3A_871 : vector<16xf32>, vector<16xf32>, vector<16xf32>, vector<16xf32>, vector<16xf32>, vector<16xf32>, vector<16xf32>, vector<16xf32>
      }
      %scan3A_222 = arith.constant 50 : i32
      %mul3A_223 = arith.constant 1 : i32
      %mul3A_224 = arith.muli %add3A_189, %mul3A_223 : i32
      %add3A_225 = arith.constant 0 : i32
      %add3A_226 = arith.addi %mul3A_224, %add3A_225 : i32
      %swap3A_227 = arith.index_cast %add3A_226 : i32 to index
      %swap3A_228 = arith.constant 0 : index
      %swap3A_229 = tpu.vector_load %arg7[%swap3A_227, %swap3A_228] {strides = array<i32>} : memref<128x128xf32, #tpu.memory_space<vmem>>, vector<1x16xf32>,
      %swap3A_230 = vector.shape_cast %swap3A_229 : vector<1x16xf32> to vector<16xf32>
      %swap3A_231 = vector.shape_cast %scan3A_221#0 : vector<16xf32> to vector<1x16xf32>
      tpu.vector_store %arg7[%swap3A_227, %swap3A_228], %swap3A_231 {strides = array<i32>} : memref<128x128xf32, #tpu.memory_space<vmem>>, vector<1x16xf32>,
      %swap3A_232 = arith.index_cast %add3A_226 : i32 to index
      %swap3A_233 = arith.constant 16 : index
      %swap3A_234 = tpu.vector_load %arg7[%swap3A_232, %swap3A_233] {strides = array<i32>} : memref<128x128xf32, #tpu.memory_space<vmem>>, vector<1x16xf32>,
      %swap3A_235 = vector.shape_cast %swap3A_234 : vector<1x16xf32> to vector<16xf32>
      %swap3A_236 = vector.shape_cast %scan3A_221#1 : vector<16xf32> to vector<1x16xf32>
      tpu.vector_store %arg7[%swap3A_232, %swap3A_233], %swap3A_236 {strides = array<i32>} : memref<128x128xf32, #tpu.memory_space<vmem>>, vector<1x16xf32>,
      %swap3A_237 = arith.index_cast %add3A_226 : i32 to index
      %swap3A_238 = arith.constant 32 : index
      %swap3A_239 = tpu.vector_load %arg7[%swap3A_237, %swap3A_238] {strides = array<i32>} : memref<128x128xf32, #tpu.memory_space<vmem>>, vector<1x16xf32>,
      %swap3A_240 = vector.shape_cast %swap3A_239 : vector<1x16xf32> to vector<16xf32>
      %swap3A_241 = vector.shape_cast %scan3A_221#2 : vector<16xf32> to vector<1x16xf32>
      tpu.vector_store %arg7[%swap3A_237, %swap3A_238], %swap3A_241 {strides = array<i32>} : memref<128x128xf32, #tpu.memory_space<vmem>>, vector<1x16xf32>,
      %swap3A_242 = arith.index_cast %add3A_226 : i32 to index
      %swap3A_243 = arith.constant 48 : index
      %swap3A_244 = tpu.vector_load %arg7[%swap3A_242, %swap3A_243] {strides = array<i32>} : memref<128x128xf32, #tpu.memory_space<vmem>>, vector<1x16xf32>,
      %swap3A_245 = vector.shape_cast %swap3A_244 : vector<1x16xf32> to vector<16xf32>
      %swap3A_246 = vector.shape_cast %scan3A_221#3 : vector<16xf32> to vector<1x16xf32>
      tpu.vector_store %arg7[%swap3A_242, %swap3A_243], %swap3A_246 {strides = array<i32>} : memref<128x128xf32, #tpu.memory_space<vmem>>, vector<1x16xf32>,
      %swap3A_247 = arith.index_cast %add3A_226 : i32 to index
      %swap3A_248 = arith.constant 64 : index
      %swap3A_249 = tpu.vector_load %arg7[%swap3A_247, %swap3A_248] {strides = array<i32>} : memref<128x128xf32, #tpu.memory_space<vmem>>, vector<1x16xf32>,
      %swap3A_250 = vector.shape_cast %swap3A_249 : vector<1x16xf32> to vector<16xf32>
      %swap3A_251 = vector.shape_cast %scan3A_221#4 : vector<16xf32> to vector<1x16xf32>
      tpu.vector_store %arg7[%swap3A_247, %swap3A_248], %swap3A_251 {strides = array<i32>} : memref<128x128xf32, #tpu.memory_space<vmem>>, vector<1x16xf32>,
      %swap3A_252 = arith.index_cast %add3A_226 : i32 to index
      %swap3A_253 = arith.constant 80 : index
      %swap3A_254 = tpu.vector_load %arg7[%swap3A_252, %swap3A_253] {strides = array<i32>} : memref<128x128xf32, #tpu.memory_space<vmem>>, vector<1x16xf32>,
      %swap3A_255 = vector.shape_cast %swap3A_254 : vector<1x16xf32> to vector<16xf32>
      %swap3A_256 = vector.shape_cast %scan3A_221#5 : vector<16xf32> to vector<1x16xf32>
      tpu.vector_store %arg7[%swap3A_252, %swap3A_253], %swap3A_256 {strides = array<i32>} : memref<128x128xf32, #tpu.memory_space<vmem>>, vector<1x16xf32>,
      %swap3A_257 = arith.index_cast %add3A_226 : i32 to index
      %swap3A_258 = arith.constant 96 : index
      %swap3A_259 = tpu.vector_load %arg7[%swap3A_257, %swap3A_258] {strides = array<i32>} : memref<128x128xf32, #tpu.memory_space<vmem>>, vector<1x16xf32>,
      %swap3A_260 = vector.shape_cast %swap3A_259 : vector<1x16xf32> to vector<16xf32>
      %swap3A_261 = vector.shape_cast %scan3A_221#6 : vector<16xf32> to vector<1x16xf32>
      tpu.vector_store %arg7[%swap3A_257, %swap3A_258], %swap3A_261 {strides = array<i32>} : memref<128x128xf32, #tpu.memory_space<vmem>>, vector<1x16xf32>,
      %swap3A_262 = arith.index_cast %add3A_226 : i32 to index
      %swap3A_263 = arith.constant 112 : index
      %swap3A_264 = tpu.vector_load %arg7[%swap3A_262, %swap3A_263] {strides = array<i32>} : memref<128x128xf32, #tpu.memory_space<vmem>>, vector<1x16xf32>,
      %swap3A_265 = vector.shape_cast %swap3A_264 : vector<1x16xf32> to vector<16xf32>
      %swap3A_266 = vector.shape_cast %scan3A_221#7 : vector<16xf32> to vector<1x16xf32>
      tpu.vector_store %arg7[%swap3A_262, %swap3A_263], %swap3A_266 {strides = array<i32>} : memref<128x128xf32, #tpu.memory_space<vmem>>, vector<1x16xf32>,
      %lt3A_267 = arith.constant 15 : i32
      %lt3A_268 = arith.cmpi slt, %scan3A_105, %lt3A_267 : i32
      %convert_element_type3A_269 = arith.extui %lt3A_268 : i1 to i32
      %cond3A_270 = arith.constant 0 : i32
      %cond3A_271 = arith.cmpi ne, %convert_element_type3A_269, %cond3A_270 : i32
      scf.if %cond3A_271 {
        %add3A_788 = arith.constant 8 : i32
        %add3A_789 = arith.addi %add3A_189, %add3A_788 : i32
        %dma_start3A_790 = arith.constant 1 : i32
        %dma_start3A_791 = arith.constant 0 : i32
        %dma_start3A_792 = arith.constant 0 : i32
        %dma_start3A_793 = tpu.memref_slice %arg6[%dma_start3A_790, %dma_start3A_791, %dma_start3A_792] : memref<8x50x128xf32, #tpu.memory_space<vmem>> -> memref<1x50x128xf32, #tpu.memory_space<vmem>>
        %dma_start3A_794 = tpu.memref_squeeze %dma_start3A_793 : memref<1x50x128xf32, #tpu.memory_space<vmem>> -> memref<50x128xf32, #tpu.memory_space<vmem>>
        %dma_start3A_795 = arith.constant 0 : i32
        %dma_start3A_796 = tpu.memref_slice %arg5[%add3A_789, %dma_start3A_795] : memref<128x50xi32, #tpu.memory_space<vmem>> -> memref<1x50xi32, #tpu.memory_space<vmem>>
        %dma_start3A_797 = tpu.memref_squeeze %dma_start3A_796 : memref<1x50xi32, #tpu.memory_space<vmem>> -> memref<50xi32, #tpu.memory_space<vmem>>
        %dma_start3A_798 = arith.constant 0 : i32
        %dma_start3A_799 = arith.constant 0 : i32
        %dma_start3A_800 = tpu.memref_slice %arg3[%dma_start3A_798, %dma_start3A_799] : memref<101000x128xf32, #tpu.memory_space<hbm>> -> memref<101000x128xf32, #tpu.memory_space<hbm>>
        tpu.enqueue_indirect_dma source(%dma_start3A_800 : memref<101000x128xf32, #tpu.memory_space<hbm>>) target(%dma_start3A_794 : memref<50x128xf32, #tpu.memory_space<vmem>>) offsets(%dma_start3A_797 : memref<50xi32, #tpu.memory_space<vmem>>) semaphore(%arg9 : memref<!tpu.dma_semaphore, #tpu.memory_space<semaphore_mem>>)
      } else {
      }
      %mul3A_272 = arith.constant 8 : i32
      %mul3A_273 = arith.muli %mul3A_272, %scan3A_105 : i32
      %add3A_274 = arith.constant 2 : i32
      %add3A_275 = arith.addi %mul3A_273, %add3A_274 : i32
      %dma_wait3A_276 = arith.constant 2 : i32
      %dma_wait3A_277 = arith.constant 0 : i32
      %dma_wait3A_278 = arith.constant 0 : i32
      %dma_wait3A_279 = tpu.memref_slice %arg6[%dma_wait3A_276, %dma_wait3A_277, %dma_wait3A_278] : memref<8x50x128xf32, #tpu.memory_space<vmem>> -> memref<1x50x128xf32, #tpu.memory_space<vmem>>
      %dma_wait3A_280 = tpu.memref_squeeze %dma_wait3A_279 : memref<1x50x128xf32, #tpu.memory_space<vmem>> -> memref<50x128xf32, #tpu.memory_space<vmem>>
      %dma_wait3A_281 = arith.constant 0 : i32
      %dma_wait3A_282 = tpu.memref_slice %arg5[%add3A_275, %dma_wait3A_281] : memref<128x50xi32, #tpu.memory_space<vmem>> -> memref<1x50xi32, #tpu.memory_space<vmem>>
      %dma_wait3A_283 = tpu.memref_squeeze %dma_wait3A_282 : memref<1x50xi32, #tpu.memory_space<vmem>> -> memref<50xi32, #tpu.memory_space<vmem>>
      %dma_wait3A_284 = arith.constant 0 : i32
      %dma_wait3A_285 = arith.constant 0 : i32
      %dma_wait3A_286 = tpu.memref_slice %arg3[%dma_wait3A_284, %dma_wait3A_285] : memref<101000x128xf32, #tpu.memory_space<hbm>> -> memref<101000x128xf32, #tpu.memory_space<hbm>>
      tpu.wait_indirect_dma semaphore(%arg10 : memref<!tpu.dma_semaphore, #tpu.memory_space<semaphore_mem>>) src(%dma_wait3A_286 : memref<101000x128xf32, #tpu.memory_space<hbm>>) dst(%dma_wait3A_280 : memref<50x128xf32, #tpu.memory_space<vmem>>)
      %broadcast_in_dim3A_287 = arith.constant 0.000000e+00 : f32
      %broadcast_in_dim3A_288 = vector.broadcast %broadcast_in_dim3A_287 : f32 to vector<16xf32>
      %broadcast_in_dim3A_289 = arith.constant 0.000000e+00 : f32
      %broadcast_in_dim3A_290 = vector.broadcast %broadcast_in_dim3A_289 : f32 to vector<16xf32>
      %broadcast_in_dim3A_291 = arith.constant 0.000000e+00 : f32
      %broadcast_in_dim3A_292 = vector.broadcast %broadcast_in_dim3A_291 : f32 to vector<16xf32>
      %broadcast_in_dim3A_293 = arith.constant 0.000000e+00 : f32
      %broadcast_in_dim3A_294 = vector.broadcast %broadcast_in_dim3A_293 : f32 to vector<16xf32>
      %broadcast_in_dim3A_295 = arith.constant 0.000000e+00 : f32
      %broadcast_in_dim3A_296 = vector.broadcast %broadcast_in_dim3A_295 : f32 to vector<16xf32>
      %broadcast_in_dim3A_297 = arith.constant 0.000000e+00 : f32
      %broadcast_in_dim3A_298 = vector.broadcast %broadcast_in_dim3A_297 : f32 to vector<16xf32>
      %broadcast_in_dim3A_299 = arith.constant 0.000000e+00 : f32
      %broadcast_in_dim3A_300 = vector.broadcast %broadcast_in_dim3A_299 : f32 to vector<16xf32>
      %broadcast_in_dim3A_301 = arith.constant 0.000000e+00 : f32
      %broadcast_in_dim3A_302 = vector.broadcast %broadcast_in_dim3A_301 : f32 to vector<16xf32>
      %scan3A_303 = arith.constant 0 : i32
      %scan3A_304 = arith.constant 50 : i32
      %scan3A_305 = arith.addi %scan3A_303, %scan3A_304 : i32
      %scan3A_306 = arith.constant 1 : i32
      %scan3A_307:8 = scf.for %scan3A_788 = %scan3A_303 to %scan3A_305 step %scan3A_306 iter_args(%scan3A_789 = %broadcast_in_dim3A_288, %scan3A_790 = %broadcast_in_dim3A_290, %scan3A_791 = %broadcast_in_dim3A_292, %scan3A_792 = %broadcast_in_dim3A_294, %scan3A_793 = %broadcast_in_dim3A_296, %scan3A_794 = %broadcast_in_dim3A_298, %scan3A_795 = %broadcast_in_dim3A_300, %scan3A_796 = %broadcast_in_dim3A_302) -> (vector<16xf32>, vector<16xf32>, vector<16xf32>, vector<16xf32>, vector<16xf32>, vector<16xf32>, vector<16xf32>, vector<16xf32>)  : i32 {
        %mul3A_797 = arith.constant 1 : i32
        %mul3A_798 = arith.muli %scan3A_788, %mul3A_797 : i32
        %add3A_799 = arith.constant 0 : i32
        %add3A_800 = arith.addi %add3A_799, %mul3A_798 : i32
        %add3A_801 = arith.constant 0 : i32
        %add3A_802 = arith.addi %add3A_800, %add3A_801 : i32
        %get3A = arith.constant 2 : i32
        %get3A_803 = arith.index_cast %get3A : i32 to index
        %get3A_804 = arith.index_cast %add3A_802 : i32 to index
        %get3A_805 = arith.constant 0 : index
        %get3A_806 = tpu.vector_load %arg6[%get3A_803, %get3A_804, %get3A_805] {strides = array<i32>} : memref<8x50x128xf32, #tpu.memory_space<vmem>>, vector<1x1x16xf32>,
        %get3A_807 = vector.shape_cast %get3A_806 : vector<1x1x16xf32> to vector<16xf32>
        %add3A_808 = arith.addf %scan3A_789, %get3A_807 : vector<16xf32>
        %add3A_809 = arith.constant 0 : i32
        %add3A_810 = arith.addi %add3A_800, %add3A_809 : i32
        %get3A_811 = arith.constant 2 : i32
        %get3A_812 = arith.index_cast %get3A_811 : i32 to index
        %get3A_813 = arith.index_cast %add3A_810 : i32 to index
        %get3A_814 = arith.constant 16 : index
        %get3A_815 = tpu.vector_load %arg6[%get3A_812, %get3A_813, %get3A_814] {strides = array<i32>} : memref<8x50x128xf32, #tpu.memory_space<vmem>>, vector<1x1x16xf32>,
        %get3A_816 = vector.shape_cast %get3A_815 : vector<1x1x16xf32> to vector<16xf32>
        %add3A_817 = arith.addf %scan3A_790, %get3A_816 : vector<16xf32>
        %add3A_818 = arith.constant 0 : i32
        %add3A_819 = arith.addi %add3A_800, %add3A_818 : i32
        %get3A_820 = arith.constant 2 : i32
        %get3A_821 = arith.index_cast %get3A_820 : i32 to index
        %get3A_822 = arith.index_cast %add3A_819 : i32 to index
        %get3A_823 = arith.constant 32 : index
        %get3A_824 = tpu.vector_load %arg6[%get3A_821, %get3A_822, %get3A_823] {strides = array<i32>} : memref<8x50x128xf32, #tpu.memory_space<vmem>>, vector<1x1x16xf32>,
        %get3A_825 = vector.shape_cast %get3A_824 : vector<1x1x16xf32> to vector<16xf32>
        %add3A_826 = arith.addf %scan3A_791, %get3A_825 : vector<16xf32>
        %add3A_827 = arith.constant 0 : i32
        %add3A_828 = arith.addi %add3A_800, %add3A_827 : i32
        %get3A_829 = arith.constant 2 : i32
        %get3A_830 = arith.index_cast %get3A_829 : i32 to index
        %get3A_831 = arith.index_cast %add3A_828 : i32 to index
        %get3A_832 = arith.constant 48 : index
        %get3A_833 = tpu.vector_load %arg6[%get3A_830, %get3A_831, %get3A_832] {strides = array<i32>} : memref<8x50x128xf32, #tpu.memory_space<vmem>>, vector<1x1x16xf32>,
        %get3A_834 = vector.shape_cast %get3A_833 : vector<1x1x16xf32> to vector<16xf32>
        %add3A_835 = arith.addf %scan3A_792, %get3A_834 : vector<16xf32>
        %add3A_836 = arith.constant 0 : i32
        %add3A_837 = arith.addi %add3A_800, %add3A_836 : i32
        %get3A_838 = arith.constant 2 : i32
        %get3A_839 = arith.index_cast %get3A_838 : i32 to index
        %get3A_840 = arith.index_cast %add3A_837 : i32 to index
        %get3A_841 = arith.constant 64 : index
        %get3A_842 = tpu.vector_load %arg6[%get3A_839, %get3A_840, %get3A_841] {strides = array<i32>} : memref<8x50x128xf32, #tpu.memory_space<vmem>>, vector<1x1x16xf32>,
        %get3A_843 = vector.shape_cast %get3A_842 : vector<1x1x16xf32> to vector<16xf32>
        %add3A_844 = arith.addf %scan3A_793, %get3A_843 : vector<16xf32>
        %add3A_845 = arith.constant 0 : i32
        %add3A_846 = arith.addi %add3A_800, %add3A_845 : i32
        %get3A_847 = arith.constant 2 : i32
        %get3A_848 = arith.index_cast %get3A_847 : i32 to index
        %get3A_849 = arith.index_cast %add3A_846 : i32 to index
        %get3A_850 = arith.constant 80 : index
        %get3A_851 = tpu.vector_load %arg6[%get3A_848, %get3A_849, %get3A_850] {strides = array<i32>} : memref<8x50x128xf32, #tpu.memory_space<vmem>>, vector<1x1x16xf32>,
        %get3A_852 = vector.shape_cast %get3A_851 : vector<1x1x16xf32> to vector<16xf32>
        %add3A_853 = arith.addf %scan3A_794, %get3A_852 : vector<16xf32>
        %add3A_854 = arith.constant 0 : i32
        %add3A_855 = arith.addi %add3A_800, %add3A_854 : i32
        %get3A_856 = arith.constant 2 : i32
        %get3A_857 = arith.index_cast %get3A_856 : i32 to index
        %get3A_858 = arith.index_cast %add3A_855 : i32 to index
        %get3A_859 = arith.constant 96 : index
        %get3A_860 = tpu.vector_load %arg6[%get3A_857, %get3A_858, %get3A_859] {strides = array<i32>} : memref<8x50x128xf32, #tpu.memory_space<vmem>>, vector<1x1x16xf32>,
        %get3A_861 = vector.shape_cast %get3A_860 : vector<1x1x16xf32> to vector<16xf32>
        %add3A_862 = arith.addf %scan3A_795, %get3A_861 : vector<16xf32>
        %add3A_863 = arith.constant 0 : i32
        %add3A_864 = arith.addi %add3A_800, %add3A_863 : i32
        %get3A_865 = arith.constant 2 : i32
        %get3A_866 = arith.index_cast %get3A_865 : i32 to index
        %get3A_867 = arith.index_cast %add3A_864 : i32 to index
        %get3A_868 = arith.constant 112 : index
        %get3A_869 = tpu.vector_load %arg6[%get3A_866, %get3A_867, %get3A_868] {strides = array<i32>} : memref<8x50x128xf32, #tpu.memory_space<vmem>>, vector<1x1x16xf32>,
        %get3A_870 = vector.shape_cast %get3A_869 : vector<1x1x16xf32> to vector<16xf32>
        %add3A_871 = arith.addf %scan3A_796, %get3A_870 : vector<16xf32>
        scf.yield %add3A_808, %add3A_817, %add3A_826, %add3A_835, %add3A_844, %add3A_853, %add3A_862, %add3A_871 : vector<16xf32>, vector<16xf32>, vector<16xf32>, vector<16xf32>, vector<16xf32>, vector<16xf32>, vector<16xf32>, vector<16xf32>
      }
      %scan3A_308 = arith.constant 50 : i32
      %mul3A_309 = arith.constant 1 : i32
      %mul3A_310 = arith.muli %add3A_275, %mul3A_309 : i32
      %add3A_311 = arith.constant 0 : i32
      %add3A_312 = arith.addi %mul3A_310, %add3A_311 : i32
      %swap3A_313 = arith.index_cast %add3A_312 : i32 to index
      %swap3A_314 = arith.constant 0 : index
      %swap3A_315 = tpu.vector_load %arg7[%swap3A_313, %swap3A_314] {strides = array<i32>} : memref<128x128xf32, #tpu.memory_space<vmem>>, vector<1x16xf32>,
      %swap3A_316 = vector.shape_cast %swap3A_315 : vector<1x16xf32> to vector<16xf32>
      %swap3A_317 = vector.shape_cast %scan3A_307#0 : vector<16xf32> to vector<1x16xf32>
      tpu.vector_store %arg7[%swap3A_313, %swap3A_314], %swap3A_317 {strides = array<i32>} : memref<128x128xf32, #tpu.memory_space<vmem>>, vector<1x16xf32>,
      %swap3A_318 = arith.index_cast %add3A_312 : i32 to index
      %swap3A_319 = arith.constant 16 : index
      %swap3A_320 = tpu.vector_load %arg7[%swap3A_318, %swap3A_319] {strides = array<i32>} : memref<128x128xf32, #tpu.memory_space<vmem>>, vector<1x16xf32>,
      %swap3A_321 = vector.shape_cast %swap3A_320 : vector<1x16xf32> to vector<16xf32>
      %swap3A_322 = vector.shape_cast %scan3A_307#1 : vector<16xf32> to vector<1x16xf32>
      tpu.vector_store %arg7[%swap3A_318, %swap3A_319], %swap3A_322 {strides = array<i32>} : memref<128x128xf32, #tpu.memory_space<vmem>>, vector<1x16xf32>,
      %swap3A_323 = arith.index_cast %add3A_312 : i32 to index
      %swap3A_324 = arith.constant 32 : index
      %swap3A_325 = tpu.vector_load %arg7[%swap3A_323, %swap3A_324] {strides = array<i32>} : memref<128x128xf32, #tpu.memory_space<vmem>>, vector<1x16xf32>,
      %swap3A_326 = vector.shape_cast %swap3A_325 : vector<1x16xf32> to vector<16xf32>
      %swap3A_327 = vector.shape_cast %scan3A_307#2 : vector<16xf32> to vector<1x16xf32>
      tpu.vector_store %arg7[%swap3A_323, %swap3A_324], %swap3A_327 {strides = array<i32>} : memref<128x128xf32, #tpu.memory_space<vmem>>, vector<1x16xf32>,
      %swap3A_328 = arith.index_cast %add3A_312 : i32 to index
      %swap3A_329 = arith.constant 48 : index
      %swap3A_330 = tpu.vector_load %arg7[%swap3A_328, %swap3A_329] {strides = array<i32>} : memref<128x128xf32, #tpu.memory_space<vmem>>, vector<1x16xf32>,
      %swap3A_331 = vector.shape_cast %swap3A_330 : vector<1x16xf32> to vector<16xf32>
      %swap3A_332 = vector.shape_cast %scan3A_307#3 : vector<16xf32> to vector<1x16xf32>
      tpu.vector_store %arg7[%swap3A_328, %swap3A_329], %swap3A_332 {strides = array<i32>} : memref<128x128xf32, #tpu.memory_space<vmem>>, vector<1x16xf32>,
      %swap3A_333 = arith.index_cast %add3A_312 : i32 to index
      %swap3A_334 = arith.constant 64 : index
      %swap3A_335 = tpu.vector_load %arg7[%swap3A_333, %swap3A_334] {strides = array<i32>} : memref<128x128xf32, #tpu.memory_space<vmem>>, vector<1x16xf32>,
      %swap3A_336 = vector.shape_cast %swap3A_335 : vector<1x16xf32> to vector<16xf32>
      %swap3A_337 = vector.shape_cast %scan3A_307#4 : vector<16xf32> to vector<1x16xf32>
      tpu.vector_store %arg7[%swap3A_333, %swap3A_334], %swap3A_337 {strides = array<i32>} : memref<128x128xf32, #tpu.memory_space<vmem>>, vector<1x16xf32>,
      %swap3A_338 = arith.index_cast %add3A_312 : i32 to index
      %swap3A_339 = arith.constant 80 : index
      %swap3A_340 = tpu.vector_load %arg7[%swap3A_338, %swap3A_339] {strides = array<i32>} : memref<128x128xf32, #tpu.memory_space<vmem>>, vector<1x16xf32>,
      %swap3A_341 = vector.shape_cast %swap3A_340 : vector<1x16xf32> to vector<16xf32>
      %swap3A_342 = vector.shape_cast %scan3A_307#5 : vector<16xf32> to vector<1x16xf32>
      tpu.vector_store %arg7[%swap3A_338, %swap3A_339], %swap3A_342 {strides = array<i32>} : memref<128x128xf32, #tpu.memory_space<vmem>>, vector<1x16xf32>,
      %swap3A_343 = arith.index_cast %add3A_312 : i32 to index
      %swap3A_344 = arith.constant 96 : index
      %swap3A_345 = tpu.vector_load %arg7[%swap3A_343, %swap3A_344] {strides = array<i32>} : memref<128x128xf32, #tpu.memory_space<vmem>>, vector<1x16xf32>,
      %swap3A_346 = vector.shape_cast %swap3A_345 : vector<1x16xf32> to vector<16xf32>
      %swap3A_347 = vector.shape_cast %scan3A_307#6 : vector<16xf32> to vector<1x16xf32>
      tpu.vector_store %arg7[%swap3A_343, %swap3A_344], %swap3A_347 {strides = array<i32>} : memref<128x128xf32, #tpu.memory_space<vmem>>, vector<1x16xf32>,
      %swap3A_348 = arith.index_cast %add3A_312 : i32 to index
      %swap3A_349 = arith.constant 112 : index
      %swap3A_350 = tpu.vector_load %arg7[%swap3A_348, %swap3A_349] {strides = array<i32>} : memref<128x128xf32, #tpu.memory_space<vmem>>, vector<1x16xf32>,
      %swap3A_351 = vector.shape_cast %swap3A_350 : vector<1x16xf32> to vector<16xf32>
      %swap3A_352 = vector.shape_cast %scan3A_307#7 : vector<16xf32> to vector<1x16xf32>
      tpu.vector_store %arg7[%swap3A_348, %swap3A_349], %swap3A_352 {strides = array<i32>} : memref<128x128xf32, #tpu.memory_space<vmem>>, vector<1x16xf32>,
      %lt3A_353 = arith.constant 15 : i32
      %lt3A_354 = arith.cmpi slt, %scan3A_105, %lt3A_353 : i32
      %convert_element_type3A_355 = arith.extui %lt3A_354 : i1 to i32
      %cond3A_356 = arith.constant 0 : i32
      %cond3A_357 = arith.cmpi ne, %convert_element_type3A_355, %cond3A_356 : i32
      scf.if %cond3A_357 {
        %add3A_788 = arith.constant 8 : i32
        %add3A_789 = arith.addi %add3A_275, %add3A_788 : i32
        %dma_start3A_790 = arith.constant 2 : i32
        %dma_start3A_791 = arith.constant 0 : i32
        %dma_start3A_792 = arith.constant 0 : i32
        %dma_start3A_793 = tpu.memref_slice %arg6[%dma_start3A_790, %dma_start3A_791, %dma_start3A_792] : memref<8x50x128xf32, #tpu.memory_space<vmem>> -> memref<1x50x128xf32, #tpu.memory_space<vmem>>
        %dma_start3A_794 = tpu.memref_squeeze %dma_start3A_793 : memref<1x50x128xf32, #tpu.memory_space<vmem>> -> memref<50x128xf32, #tpu.memory_space<vmem>>
        %dma_start3A_795 = arith.constant 0 : i32
        %dma_start3A_796 = tpu.memref_slice %arg5[%add3A_789, %dma_start3A_795] : memref<128x50xi32, #tpu.memory_space<vmem>> -> memref<1x50xi32, #tpu.memory_space<vmem>>
        %dma_start3A_797 = tpu.memref_squeeze %dma_start3A_796 : memref<1x50xi32, #tpu.memory_space<vmem>> -> memref<50xi32, #tpu.memory_space<vmem>>
        %dma_start3A_798 = arith.constant 0 : i32
        %dma_start3A_799 = arith.constant 0 : i32
        %dma_start3A_800 = tpu.memref_slice %arg3[%dma_start3A_798, %dma_start3A_799] : memref<101000x128xf32, #tpu.memory_space<hbm>> -> memref<101000x128xf32, #tpu.memory_space<hbm>>
        tpu.enqueue_indirect_dma source(%dma_start3A_800 : memref<101000x128xf32, #tpu.memory_space<hbm>>) target(%dma_start3A_794 : memref<50x128xf32, #tpu.memory_space<vmem>>) offsets(%dma_start3A_797 : memref<50xi32, #tpu.memory_space<vmem>>) semaphore(%arg10 : memref<!tpu.dma_semaphore, #tpu.memory_space<semaphore_mem>>)
      } else {
      }
      %mul3A_358 = arith.constant 8 : i32
      %mul3A_359 = arith.muli %mul3A_358, %scan3A_105 : i32
      %add3A_360 = arith.constant 3 : i32
      %add3A_361 = arith.addi %mul3A_359, %add3A_360 : i32
      %dma_wait3A_362 = arith.constant 3 : i32
      %dma_wait3A_363 = arith.constant 0 : i32
      %dma_wait3A_364 = arith.constant 0 : i32
      %dma_wait3A_365 = tpu.memref_slice %arg6[%dma_wait3A_362, %dma_wait3A_363, %dma_wait3A_364] : memref<8x50x128xf32, #tpu.memory_space<vmem>> -> memref<1x50x128xf32, #tpu.memory_space<vmem>>
      %dma_wait3A_366 = tpu.memref_squeeze %dma_wait3A_365 : memref<1x50x128xf32, #tpu.memory_space<vmem>> -> memref<50x128xf32, #tpu.memory_space<vmem>>
      %dma_wait3A_367 = arith.constant 0 : i32
      %dma_wait3A_368 = tpu.memref_slice %arg5[%add3A_361, %dma_wait3A_367] : memref<128x50xi32, #tpu.memory_space<vmem>> -> memref<1x50xi32, #tpu.memory_space<vmem>>
      %dma_wait3A_369 = tpu.memref_squeeze %dma_wait3A_368 : memref<1x50xi32, #tpu.memory_space<vmem>> -> memref<50xi32, #tpu.memory_space<vmem>>
      %dma_wait3A_370 = arith.constant 0 : i32
      %dma_wait3A_371 = arith.constant 0 : i32
      %dma_wait3A_372 = tpu.memref_slice %arg3[%dma_wait3A_370, %dma_wait3A_371] : memref<101000x128xf32, #tpu.memory_space<hbm>> -> memref<101000x128xf32, #tpu.memory_space<hbm>>
      tpu.wait_indirect_dma semaphore(%arg11 : memref<!tpu.dma_semaphore, #tpu.memory_space<semaphore_mem>>) src(%dma_wait3A_372 : memref<101000x128xf32, #tpu.memory_space<hbm>>) dst(%dma_wait3A_366 : memref<50x128xf32, #tpu.memory_space<vmem>>)
      %broadcast_in_dim3A_373 = arith.constant 0.000000e+00 : f32
      %broadcast_in_dim3A_374 = vector.broadcast %broadcast_in_dim3A_373 : f32 to vector<16xf32>
      %broadcast_in_dim3A_375 = arith.constant 0.000000e+00 : f32
      %broadcast_in_dim3A_376 = vector.broadcast %broadcast_in_dim3A_375 : f32 to vector<16xf32>
      %broadcast_in_dim3A_377 = arith.constant 0.000000e+00 : f32
      %broadcast_in_dim3A_378 = vector.broadcast %broadcast_in_dim3A_377 : f32 to vector<16xf32>
      %broadcast_in_dim3A_379 = arith.constant 0.000000e+00 : f32
      %broadcast_in_dim3A_380 = vector.broadcast %broadcast_in_dim3A_379 : f32 to vector<16xf32>
      %broadcast_in_dim3A_381 = arith.constant 0.000000e+00 : f32
      %broadcast_in_dim3A_382 = vector.broadcast %broadcast_in_dim3A_381 : f32 to vector<16xf32>
      %broadcast_in_dim3A_383 = arith.constant 0.000000e+00 : f32
      %broadcast_in_dim3A_384 = vector.broadcast %broadcast_in_dim3A_383 : f32 to vector<16xf32>
      %broadcast_in_dim3A_385 = arith.constant 0.000000e+00 : f32
      %broadcast_in_dim3A_386 = vector.broadcast %broadcast_in_dim3A_385 : f32 to vector<16xf32>
      %broadcast_in_dim3A_387 = arith.constant 0.000000e+00 : f32
      %broadcast_in_dim3A_388 = vector.broadcast %broadcast_in_dim3A_387 : f32 to vector<16xf32>
      %scan3A_389 = arith.constant 0 : i32
      %scan3A_390 = arith.constant 50 : i32
      %scan3A_391 = arith.addi %scan3A_389, %scan3A_390 : i32
      %scan3A_392 = arith.constant 1 : i32
      %scan3A_393:8 = scf.for %scan3A_788 = %scan3A_389 to %scan3A_391 step %scan3A_392 iter_args(%scan3A_789 = %broadcast_in_dim3A_374, %scan3A_790 = %broadcast_in_dim3A_376, %scan3A_791 = %broadcast_in_dim3A_378, %scan3A_792 = %broadcast_in_dim3A_380, %scan3A_793 = %broadcast_in_dim3A_382, %scan3A_794 = %broadcast_in_dim3A_384, %scan3A_795 = %broadcast_in_dim3A_386, %scan3A_796 = %broadcast_in_dim3A_388) -> (vector<16xf32>, vector<16xf32>, vector<16xf32>, vector<16xf32>, vector<16xf32>, vector<16xf32>, vector<16xf32>, vector<16xf32>)  : i32 {
        %mul3A_797 = arith.constant 1 : i32
        %mul3A_798 = arith.muli %scan3A_788, %mul3A_797 : i32
        %add3A_799 = arith.constant 0 : i32
        %add3A_800 = arith.addi %add3A_799, %mul3A_798 : i32
        %add3A_801 = arith.constant 0 : i32
        %add3A_802 = arith.addi %add3A_800, %add3A_801 : i32
        %get3A = arith.constant 3 : i32
        %get3A_803 = arith.index_cast %get3A : i32 to index
        %get3A_804 = arith.index_cast %add3A_802 : i32 to index
        %get3A_805 = arith.constant 0 : index
        %get3A_806 = tpu.vector_load %arg6[%get3A_803, %get3A_804, %get3A_805] {strides = array<i32>} : memref<8x50x128xf32, #tpu.memory_space<vmem>>, vector<1x1x16xf32>,
        %get3A_807 = vector.shape_cast %get3A_806 : vector<1x1x16xf32> to vector<16xf32>
        %add3A_808 = arith.addf %scan3A_789, %get3A_807 : vector<16xf32>
        %add3A_809 = arith.constant 0 : i32
        %add3A_810 = arith.addi %add3A_800, %add3A_809 : i32
        %get3A_811 = arith.constant 3 : i32
        %get3A_812 = arith.index_cast %get3A_811 : i32 to index
        %get3A_813 = arith.index_cast %add3A_810 : i32 to index
        %get3A_814 = arith.constant 16 : index
        %get3A_815 = tpu.vector_load %arg6[%get3A_812, %get3A_813, %get3A_814] {strides = array<i32>} : memref<8x50x128xf32, #tpu.memory_space<vmem>>, vector<1x1x16xf32>,
        %get3A_816 = vector.shape_cast %get3A_815 : vector<1x1x16xf32> to vector<16xf32>
        %add3A_817 = arith.addf %scan3A_790, %get3A_816 : vector<16xf32>
        %add3A_818 = arith.constant 0 : i32
        %add3A_819 = arith.addi %add3A_800, %add3A_818 : i32
        %get3A_820 = arith.constant 3 : i32
        %get3A_821 = arith.index_cast %get3A_820 : i32 to index
        %get3A_822 = arith.index_cast %add3A_819 : i32 to index
        %get3A_823 = arith.constant 32 : index
        %get3A_824 = tpu.vector_load %arg6[%get3A_821, %get3A_822, %get3A_823] {strides = array<i32>} : memref<8x50x128xf32, #tpu.memory_space<vmem>>, vector<1x1x16xf32>,
        %get3A_825 = vector.shape_cast %get3A_824 : vector<1x1x16xf32> to vector<16xf32>
        %add3A_826 = arith.addf %scan3A_791, %get3A_825 : vector<16xf32>
        %add3A_827 = arith.constant 0 : i32
        %add3A_828 = arith.addi %add3A_800, %add3A_827 : i32
        %get3A_829 = arith.constant 3 : i32
        %get3A_830 = arith.index_cast %get3A_829 : i32 to index
        %get3A_831 = arith.index_cast %add3A_828 : i32 to index
        %get3A_832 = arith.constant 48 : index
        %get3A_833 = tpu.vector_load %arg6[%get3A_830, %get3A_831, %get3A_832] {strides = array<i32>} : memref<8x50x128xf32, #tpu.memory_space<vmem>>, vector<1x1x16xf32>,
        %get3A_834 = vector.shape_cast %get3A_833 : vector<1x1x16xf32> to vector<16xf32>
        %add3A_835 = arith.addf %scan3A_792, %get3A_834 : vector<16xf32>
        %add3A_836 = arith.constant 0 : i32
        %add3A_837 = arith.addi %add3A_800, %add3A_836 : i32
        %get3A_838 = arith.constant 3 : i32
        %get3A_839 = arith.index_cast %get3A_838 : i32 to index
        %get3A_840 = arith.index_cast %add3A_837 : i32 to index
        %get3A_841 = arith.constant 64 : index
        %get3A_842 = tpu.vector_load %arg6[%get3A_839, %get3A_840, %get3A_841] {strides = array<i32>} : memref<8x50x128xf32, #tpu.memory_space<vmem>>, vector<1x1x16xf32>,
        %get3A_843 = vector.shape_cast %get3A_842 : vector<1x1x16xf32> to vector<16xf32>
        %add3A_844 = arith.addf %scan3A_793, %get3A_843 : vector<16xf32>
        %add3A_845 = arith.constant 0 : i32
        %add3A_846 = arith.addi %add3A_800, %add3A_845 : i32
        %get3A_847 = arith.constant 3 : i32
        %get3A_848 = arith.index_cast %get3A_847 : i32 to index
        %get3A_849 = arith.index_cast %add3A_846 : i32 to index
        %get3A_850 = arith.constant 80 : index
        %get3A_851 = tpu.vector_load %arg6[%get3A_848, %get3A_849, %get3A_850] {strides = array<i32>} : memref<8x50x128xf32, #tpu.memory_space<vmem>>, vector<1x1x16xf32>,
        %get3A_852 = vector.shape_cast %get3A_851 : vector<1x1x16xf32> to vector<16xf32>
        %add3A_853 = arith.addf %scan3A_794, %get3A_852 : vector<16xf32>
        %add3A_854 = arith.constant 0 : i32
        %add3A_855 = arith.addi %add3A_800, %add3A_854 : i32
        %get3A_856 = arith.constant 3 : i32
        %get3A_857 = arith.index_cast %get3A_856 : i32 to index
        %get3A_858 = arith.index_cast %add3A_855 : i32 to index
        %get3A_859 = arith.constant 96 : index
        %get3A_860 = tpu.vector_load %arg6[%get3A_857, %get3A_858, %get3A_859] {strides = array<i32>} : memref<8x50x128xf32, #tpu.memory_space<vmem>>, vector<1x1x16xf32>,
        %get3A_861 = vector.shape_cast %get3A_860 : vector<1x1x16xf32> to vector<16xf32>
        %add3A_862 = arith.addf %scan3A_795, %get3A_861 : vector<16xf32>
        %add3A_863 = arith.constant 0 : i32
        %add3A_864 = arith.addi %add3A_800, %add3A_863 : i32
        %get3A_865 = arith.constant 3 : i32
        %get3A_866 = arith.index_cast %get3A_865 : i32 to index
        %get3A_867 = arith.index_cast %add3A_864 : i32 to index
        %get3A_868 = arith.constant 112 : index
        %get3A_869 = tpu.vector_load %arg6[%get3A_866, %get3A_867, %get3A_868] {strides = array<i32>} : memref<8x50x128xf32, #tpu.memory_space<vmem>>, vector<1x1x16xf32>,
        %get3A_870 = vector.shape_cast %get3A_869 : vector<1x1x16xf32> to vector<16xf32>
        %add3A_871 = arith.addf %scan3A_796, %get3A_870 : vector<16xf32>
        scf.yield %add3A_808, %add3A_817, %add3A_826, %add3A_835, %add3A_844, %add3A_853, %add3A_862, %add3A_871 : vector<16xf32>, vector<16xf32>, vector<16xf32>, vector<16xf32>, vector<16xf32>, vector<16xf32>, vector<16xf32>, vector<16xf32>
      }
      %scan3A_394 = arith.constant 50 : i32
      %mul3A_395 = arith.constant 1 : i32
      %mul3A_396 = arith.muli %add3A_361, %mul3A_395 : i32
      %add3A_397 = arith.constant 0 : i32
      %add3A_398 = arith.addi %mul3A_396, %add3A_397 : i32
      %swap3A_399 = arith.index_cast %add3A_398 : i32 to index
      %swap3A_400 = arith.constant 0 : index
      %swap3A_401 = tpu.vector_load %arg7[%swap3A_399, %swap3A_400] {strides = array<i32>} : memref<128x128xf32, #tpu.memory_space<vmem>>, vector<1x16xf32>,
      %swap3A_402 = vector.shape_cast %swap3A_401 : vector<1x16xf32> to vector<16xf32>
      %swap3A_403 = vector.shape_cast %scan3A_393#0 : vector<16xf32> to vector<1x16xf32>
      tpu.vector_store %arg7[%swap3A_399, %swap3A_400], %swap3A_403 {strides = array<i32>} : memref<128x128xf32, #tpu.memory_space<vmem>>, vector<1x16xf32>,
      %swap3A_404 = arith.index_cast %add3A_398 : i32 to index
      %swap3A_405 = arith.constant 16 : index
      %swap3A_406 = tpu.vector_load %arg7[%swap3A_404, %swap3A_405] {strides = array<i32>} : memref<128x128xf32, #tpu.memory_space<vmem>>, vector<1x16xf32>,
      %swap3A_407 = vector.shape_cast %swap3A_406 : vector<1x16xf32> to vector<16xf32>
      %swap3A_408 = vector.shape_cast %scan3A_393#1 : vector<16xf32> to vector<1x16xf32>
      tpu.vector_store %arg7[%swap3A_404, %swap3A_405], %swap3A_408 {strides = array<i32>} : memref<128x128xf32, #tpu.memory_space<vmem>>, vector<1x16xf32>,
      %swap3A_409 = arith.index_cast %add3A_398 : i32 to index
      %swap3A_410 = arith.constant 32 : index
      %swap3A_411 = tpu.vector_load %arg7[%swap3A_409, %swap3A_410] {strides = array<i32>} : memref<128x128xf32, #tpu.memory_space<vmem>>, vector<1x16xf32>,
      %swap3A_412 = vector.shape_cast %swap3A_411 : vector<1x16xf32> to vector<16xf32>
      %swap3A_413 = vector.shape_cast %scan3A_393#2 : vector<16xf32> to vector<1x16xf32>
      tpu.vector_store %arg7[%swap3A_409, %swap3A_410], %swap3A_413 {strides = array<i32>} : memref<128x128xf32, #tpu.memory_space<vmem>>, vector<1x16xf32>,
      %swap3A_414 = arith.index_cast %add3A_398 : i32 to index
      %swap3A_415 = arith.constant 48 : index
      %swap3A_416 = tpu.vector_load %arg7[%swap3A_414, %swap3A_415] {strides = array<i32>} : memref<128x128xf32, #tpu.memory_space<vmem>>, vector<1x16xf32>,
      %swap3A_417 = vector.shape_cast %swap3A_416 : vector<1x16xf32> to vector<16xf32>
      %swap3A_418 = vector.shape_cast %scan3A_393#3 : vector<16xf32> to vector<1x16xf32>
      tpu.vector_store %arg7[%swap3A_414, %swap3A_415], %swap3A_418 {strides = array<i32>} : memref<128x128xf32, #tpu.memory_space<vmem>>, vector<1x16xf32>,
      %swap3A_419 = arith.index_cast %add3A_398 : i32 to index
      %swap3A_420 = arith.constant 64 : index
      %swap3A_421 = tpu.vector_load %arg7[%swap3A_419, %swap3A_420] {strides = array<i32>} : memref<128x128xf32, #tpu.memory_space<vmem>>, vector<1x16xf32>,
      %swap3A_422 = vector.shape_cast %swap3A_421 : vector<1x16xf32> to vector<16xf32>
      %swap3A_423 = vector.shape_cast %scan3A_393#4 : vector<16xf32> to vector<1x16xf32>
      tpu.vector_store %arg7[%swap3A_419, %swap3A_420], %swap3A_423 {strides = array<i32>} : memref<128x128xf32, #tpu.memory_space<vmem>>, vector<1x16xf32>,
      %swap3A_424 = arith.index_cast %add3A_398 : i32 to index
      %swap3A_425 = arith.constant 80 : index
      %swap3A_426 = tpu.vector_load %arg7[%swap3A_424, %swap3A_425] {strides = array<i32>} : memref<128x128xf32, #tpu.memory_space<vmem>>, vector<1x16xf32>,
      %swap3A_427 = vector.shape_cast %swap3A_426 : vector<1x16xf32> to vector<16xf32>
      %swap3A_428 = vector.shape_cast %scan3A_393#5 : vector<16xf32> to vector<1x16xf32>
      tpu.vector_store %arg7[%swap3A_424, %swap3A_425], %swap3A_428 {strides = array<i32>} : memref<128x128xf32, #tpu.memory_space<vmem>>, vector<1x16xf32>,
      %swap3A_429 = arith.index_cast %add3A_398 : i32 to index
      %swap3A_430 = arith.constant 96 : index
      %swap3A_431 = tpu.vector_load %arg7[%swap3A_429, %swap3A_430] {strides = array<i32>} : memref<128x128xf32, #tpu.memory_space<vmem>>, vector<1x16xf32>,
      %swap3A_432 = vector.shape_cast %swap3A_431 : vector<1x16xf32> to vector<16xf32>
      %swap3A_433 = vector.shape_cast %scan3A_393#6 : vector<16xf32> to vector<1x16xf32>
      tpu.vector_store %arg7[%swap3A_429, %swap3A_430], %swap3A_433 {strides = array<i32>} : memref<128x128xf32, #tpu.memory_space<vmem>>, vector<1x16xf32>,
      %swap3A_434 = arith.index_cast %add3A_398 : i32 to index
      %swap3A_435 = arith.constant 112 : index
      %swap3A_436 = tpu.vector_load %arg7[%swap3A_434, %swap3A_435] {strides = array<i32>} : memref<128x128xf32, #tpu.memory_space<vmem>>, vector<1x16xf32>,
      %swap3A_437 = vector.shape_cast %swap3A_436 : vector<1x16xf32> to vector<16xf32>
      %swap3A_438 = vector.shape_cast %scan3A_393#7 : vector<16xf32> to vector<1x16xf32>
      tpu.vector_store %arg7[%swap3A_434, %swap3A_435], %swap3A_438 {strides = array<i32>} : memref<128x128xf32, #tpu.memory_space<vmem>>, vector<1x16xf32>,
      %lt3A_439 = arith.constant 15 : i32
      %lt3A_440 = arith.cmpi slt, %scan3A_105, %lt3A_439 : i32
      %convert_element_type3A_441 = arith.extui %lt3A_440 : i1 to i32
      %cond3A_442 = arith.constant 0 : i32
      %cond3A_443 = arith.cmpi ne, %convert_element_type3A_441, %cond3A_442 : i32
      scf.if %cond3A_443 {
        %add3A_788 = arith.constant 8 : i32
        %add3A_789 = arith.addi %add3A_361, %add3A_788 : i32
        %dma_start3A_790 = arith.constant 3 : i32
        %dma_start3A_791 = arith.constant 0 : i32
        %dma_start3A_792 = arith.constant 0 : i32
        %dma_start3A_793 = tpu.memref_slice %arg6[%dma_start3A_790, %dma_start3A_791, %dma_start3A_792] : memref<8x50x128xf32, #tpu.memory_space<vmem>> -> memref<1x50x128xf32, #tpu.memory_space<vmem>>
        %dma_start3A_794 = tpu.memref_squeeze %dma_start3A_793 : memref<1x50x128xf32, #tpu.memory_space<vmem>> -> memref<50x128xf32, #tpu.memory_space<vmem>>
        %dma_start3A_795 = arith.constant 0 : i32
        %dma_start3A_796 = tpu.memref_slice %arg5[%add3A_789, %dma_start3A_795] : memref<128x50xi32, #tpu.memory_space<vmem>> -> memref<1x50xi32, #tpu.memory_space<vmem>>
        %dma_start3A_797 = tpu.memref_squeeze %dma_start3A_796 : memref<1x50xi32, #tpu.memory_space<vmem>> -> memref<50xi32, #tpu.memory_space<vmem>>
        %dma_start3A_798 = arith.constant 0 : i32
        %dma_start3A_799 = arith.constant 0 : i32
        %dma_start3A_800 = tpu.memref_slice %arg3[%dma_start3A_798, %dma_start3A_799] : memref<101000x128xf32, #tpu.memory_space<hbm>> -> memref<101000x128xf32, #tpu.memory_space<hbm>>
        tpu.enqueue_indirect_dma source(%dma_start3A_800 : memref<101000x128xf32, #tpu.memory_space<hbm>>) target(%dma_start3A_794 : memref<50x128xf32, #tpu.memory_space<vmem>>) offsets(%dma_start3A_797 : memref<50xi32, #tpu.memory_space<vmem>>) semaphore(%arg11 : memref<!tpu.dma_semaphore, #tpu.memory_space<semaphore_mem>>)
      } else {
      }
      %mul3A_444 = arith.constant 8 : i32
      %mul3A_445 = arith.muli %mul3A_444, %scan3A_105 : i32
      %add3A_446 = arith.constant 4 : i32
      %add3A_447 = arith.addi %mul3A_445, %add3A_446 : i32
      %dma_wait3A_448 = arith.constant 4 : i32
      %dma_wait3A_449 = arith.constant 0 : i32
      %dma_wait3A_450 = arith.constant 0 : i32
      %dma_wait3A_451 = tpu.memref_slice %arg6[%dma_wait3A_448, %dma_wait3A_449, %dma_wait3A_450] : memref<8x50x128xf32, #tpu.memory_space<vmem>> -> memref<1x50x128xf32, #tpu.memory_space<vmem>>
      %dma_wait3A_452 = tpu.memref_squeeze %dma_wait3A_451 : memref<1x50x128xf32, #tpu.memory_space<vmem>> -> memref<50x128xf32, #tpu.memory_space<vmem>>
      %dma_wait3A_453 = arith.constant 0 : i32
      %dma_wait3A_454 = tpu.memref_slice %arg5[%add3A_447, %dma_wait3A_453] : memref<128x50xi32, #tpu.memory_space<vmem>> -> memref<1x50xi32, #tpu.memory_space<vmem>>
      %dma_wait3A_455 = tpu.memref_squeeze %dma_wait3A_454 : memref<1x50xi32, #tpu.memory_space<vmem>> -> memref<50xi32, #tpu.memory_space<vmem>>
      %dma_wait3A_456 = arith.constant 0 : i32
      %dma_wait3A_457 = arith.constant 0 : i32
      %dma_wait3A_458 = tpu.memref_slice %arg3[%dma_wait3A_456, %dma_wait3A_457] : memref<101000x128xf32, #tpu.memory_space<hbm>> -> memref<101000x128xf32, #tpu.memory_space<hbm>>
      tpu.wait_indirect_dma semaphore(%arg12 : memref<!tpu.dma_semaphore, #tpu.memory_space<semaphore_mem>>) src(%dma_wait3A_458 : memref<101000x128xf32, #tpu.memory_space<hbm>>) dst(%dma_wait3A_452 : memref<50x128xf32, #tpu.memory_space<vmem>>)
      %broadcast_in_dim3A_459 = arith.constant 0.000000e+00 : f32
      %broadcast_in_dim3A_460 = vector.broadcast %broadcast_in_dim3A_459 : f32 to vector<16xf32>
      %broadcast_in_dim3A_461 = arith.constant 0.000000e+00 : f32
      %broadcast_in_dim3A_462 = vector.broadcast %broadcast_in_dim3A_461 : f32 to vector<16xf32>
      %broadcast_in_dim3A_463 = arith.constant 0.000000e+00 : f32
      %broadcast_in_dim3A_464 = vector.broadcast %broadcast_in_dim3A_463 : f32 to vector<16xf32>
      %broadcast_in_dim3A_465 = arith.constant 0.000000e+00 : f32
      %broadcast_in_dim3A_466 = vector.broadcast %broadcast_in_dim3A_465 : f32 to vector<16xf32>
      %broadcast_in_dim3A_467 = arith.constant 0.000000e+00 : f32
      %broadcast_in_dim3A_468 = vector.broadcast %broadcast_in_dim3A_467 : f32 to vector<16xf32>
      %broadcast_in_dim3A_469 = arith.constant 0.000000e+00 : f32
      %broadcast_in_dim3A_470 = vector.broadcast %broadcast_in_dim3A_469 : f32 to vector<16xf32>
      %broadcast_in_dim3A_471 = arith.constant 0.000000e+00 : f32
      %broadcast_in_dim3A_472 = vector.broadcast %broadcast_in_dim3A_471 : f32 to vector<16xf32>
      %broadcast_in_dim3A_473 = arith.constant 0.000000e+00 : f32
      %broadcast_in_dim3A_474 = vector.broadcast %broadcast_in_dim3A_473 : f32 to vector<16xf32>
      %scan3A_475 = arith.constant 0 : i32
      %scan3A_476 = arith.constant 50 : i32
      %scan3A_477 = arith.addi %scan3A_475, %scan3A_476 : i32
      %scan3A_478 = arith.constant 1 : i32
      %scan3A_479:8 = scf.for %scan3A_788 = %scan3A_475 to %scan3A_477 step %scan3A_478 iter_args(%scan3A_789 = %broadcast_in_dim3A_460, %scan3A_790 = %broadcast_in_dim3A_462, %scan3A_791 = %broadcast_in_dim3A_464, %scan3A_792 = %broadcast_in_dim3A_466, %scan3A_793 = %broadcast_in_dim3A_468, %scan3A_794 = %broadcast_in_dim3A_470, %scan3A_795 = %broadcast_in_dim3A_472, %scan3A_796 = %broadcast_in_dim3A_474) -> (vector<16xf32>, vector<16xf32>, vector<16xf32>, vector<16xf32>, vector<16xf32>, vector<16xf32>, vector<16xf32>, vector<16xf32>)  : i32 {
        %mul3A_797 = arith.constant 1 : i32
        %mul3A_798 = arith.muli %scan3A_788, %mul3A_797 : i32
        %add3A_799 = arith.constant 0 : i32
        %add3A_800 = arith.addi %add3A_799, %mul3A_798 : i32
        %add3A_801 = arith.constant 0 : i32
        %add3A_802 = arith.addi %add3A_800, %add3A_801 : i32
        %get3A = arith.constant 4 : i32
        %get3A_803 = arith.index_cast %get3A : i32 to index
        %get3A_804 = arith.index_cast %add3A_802 : i32 to index
        %get3A_805 = arith.constant 0 : index
        %get3A_806 = tpu.vector_load %arg6[%get3A_803, %get3A_804, %get3A_805] {strides = array<i32>} : memref<8x50x128xf32, #tpu.memory_space<vmem>>, vector<1x1x16xf32>,
        %get3A_807 = vector.shape_cast %get3A_806 : vector<1x1x16xf32> to vector<16xf32>
        %add3A_808 = arith.addf %scan3A_789, %get3A_807 : vector<16xf32>
        %add3A_809 = arith.constant 0 : i32
        %add3A_810 = arith.addi %add3A_800, %add3A_809 : i32
        %get3A_811 = arith.constant 4 : i32
        %get3A_812 = arith.index_cast %get3A_811 : i32 to index
        %get3A_813 = arith.index_cast %add3A_810 : i32 to index
        %get3A_814 = arith.constant 16 : index
        %get3A_815 = tpu.vector_load %arg6[%get3A_812, %get3A_813, %get3A_814] {strides = array<i32>} : memref<8x50x128xf32, #tpu.memory_space<vmem>>, vector<1x1x16xf32>,
        %get3A_816 = vector.shape_cast %get3A_815 : vector<1x1x16xf32> to vector<16xf32>
        %add3A_817 = arith.addf %scan3A_790, %get3A_816 : vector<16xf32>
        %add3A_818 = arith.constant 0 : i32
        %add3A_819 = arith.addi %add3A_800, %add3A_818 : i32
        %get3A_820 = arith.constant 4 : i32
        %get3A_821 = arith.index_cast %get3A_820 : i32 to index
        %get3A_822 = arith.index_cast %add3A_819 : i32 to index
        %get3A_823 = arith.constant 32 : index
        %get3A_824 = tpu.vector_load %arg6[%get3A_821, %get3A_822, %get3A_823] {strides = array<i32>} : memref<8x50x128xf32, #tpu.memory_space<vmem>>, vector<1x1x16xf32>,
        %get3A_825 = vector.shape_cast %get3A_824 : vector<1x1x16xf32> to vector<16xf32>
        %add3A_826 = arith.addf %scan3A_791, %get3A_825 : vector<16xf32>
        %add3A_827 = arith.constant 0 : i32
        %add3A_828 = arith.addi %add3A_800, %add3A_827 : i32
        %get3A_829 = arith.constant 4 : i32
        %get3A_830 = arith.index_cast %get3A_829 : i32 to index
        %get3A_831 = arith.index_cast %add3A_828 : i32 to index
        %get3A_832 = arith.constant 48 : index
        %get3A_833 = tpu.vector_load %arg6[%get3A_830, %get3A_831, %get3A_832] {strides = array<i32>} : memref<8x50x128xf32, #tpu.memory_space<vmem>>, vector<1x1x16xf32>,
        %get3A_834 = vector.shape_cast %get3A_833 : vector<1x1x16xf32> to vector<16xf32>
        %add3A_835 = arith.addf %scan3A_792, %get3A_834 : vector<16xf32>
        %add3A_836 = arith.constant 0 : i32
        %add3A_837 = arith.addi %add3A_800, %add3A_836 : i32
        %get3A_838 = arith.constant 4 : i32
        %get3A_839 = arith.index_cast %get3A_838 : i32 to index
        %get3A_840 = arith.index_cast %add3A_837 : i32 to index
        %get3A_841 = arith.constant 64 : index
        %get3A_842 = tpu.vector_load %arg6[%get3A_839, %get3A_840, %get3A_841] {strides = array<i32>} : memref<8x50x128xf32, #tpu.memory_space<vmem>>, vector<1x1x16xf32>,
        %get3A_843 = vector.shape_cast %get3A_842 : vector<1x1x16xf32> to vector<16xf32>
        %add3A_844 = arith.addf %scan3A_793, %get3A_843 : vector<16xf32>
        %add3A_845 = arith.constant 0 : i32
        %add3A_846 = arith.addi %add3A_800, %add3A_845 : i32
        %get3A_847 = arith.constant 4 : i32
        %get3A_848 = arith.index_cast %get3A_847 : i32 to index
        %get3A_849 = arith.index_cast %add3A_846 : i32 to index
        %get3A_850 = arith.constant 80 : index
        %get3A_851 = tpu.vector_load %arg6[%get3A_848, %get3A_849, %get3A_850] {strides = array<i32>} : memref<8x50x128xf32, #tpu.memory_space<vmem>>, vector<1x1x16xf32>,
        %get3A_852 = vector.shape_cast %get3A_851 : vector<1x1x16xf32> to vector<16xf32>
        %add3A_853 = arith.addf %scan3A_794, %get3A_852 : vector<16xf32>
        %add3A_854 = arith.constant 0 : i32
        %add3A_855 = arith.addi %add3A_800, %add3A_854 : i32
        %get3A_856 = arith.constant 4 : i32
        %get3A_857 = arith.index_cast %get3A_856 : i32 to index
        %get3A_858 = arith.index_cast %add3A_855 : i32 to index
        %get3A_859 = arith.constant 96 : index
        %get3A_860 = tpu.vector_load %arg6[%get3A_857, %get3A_858, %get3A_859] {strides = array<i32>} : memref<8x50x128xf32, #tpu.memory_space<vmem>>, vector<1x1x16xf32>,
        %get3A_861 = vector.shape_cast %get3A_860 : vector<1x1x16xf32> to vector<16xf32>
        %add3A_862 = arith.addf %scan3A_795, %get3A_861 : vector<16xf32>
        %add3A_863 = arith.constant 0 : i32
        %add3A_864 = arith.addi %add3A_800, %add3A_863 : i32
        %get3A_865 = arith.constant 4 : i32
        %get3A_866 = arith.index_cast %get3A_865 : i32 to index
        %get3A_867 = arith.index_cast %add3A_864 : i32 to index
        %get3A_868 = arith.constant 112 : index
        %get3A_869 = tpu.vector_load %arg6[%get3A_866, %get3A_867, %get3A_868] {strides = array<i32>} : memref<8x50x128xf32, #tpu.memory_space<vmem>>, vector<1x1x16xf32>,
        %get3A_870 = vector.shape_cast %get3A_869 : vector<1x1x16xf32> to vector<16xf32>
        %add3A_871 = arith.addf %scan3A_796, %get3A_870 : vector<16xf32>
        scf.yield %add3A_808, %add3A_817, %add3A_826, %add3A_835, %add3A_844, %add3A_853, %add3A_862, %add3A_871 : vector<16xf32>, vector<16xf32>, vector<16xf32>, vector<16xf32>, vector<16xf32>, vector<16xf32>, vector<16xf32>, vector<16xf32>
      }
      %scan3A_480 = arith.constant 50 : i32
      %mul3A_481 = arith.constant 1 : i32
      %mul3A_482 = arith.muli %add3A_447, %mul3A_481 : i32
      %add3A_483 = arith.constant 0 : i32
      %add3A_484 = arith.addi %mul3A_482, %add3A_483 : i32
      %swap3A_485 = arith.index_cast %add3A_484 : i32 to index
      %swap3A_486 = arith.constant 0 : index
      %swap3A_487 = tpu.vector_load %arg7[%swap3A_485, %swap3A_486] {strides = array<i32>} : memref<128x128xf32, #tpu.memory_space<vmem>>, vector<1x16xf32>,
      %swap3A_488 = vector.shape_cast %swap3A_487 : vector<1x16xf32> to vector<16xf32>
      %swap3A_489 = vector.shape_cast %scan3A_479#0 : vector<16xf32> to vector<1x16xf32>
      tpu.vector_store %arg7[%swap3A_485, %swap3A_486], %swap3A_489 {strides = array<i32>} : memref<128x128xf32, #tpu.memory_space<vmem>>, vector<1x16xf32>,
      %swap3A_490 = arith.index_cast %add3A_484 : i32 to index
      %swap3A_491 = arith.constant 16 : index
      %swap3A_492 = tpu.vector_load %arg7[%swap3A_490, %swap3A_491] {strides = array<i32>} : memref<128x128xf32, #tpu.memory_space<vmem>>, vector<1x16xf32>,
      %swap3A_493 = vector.shape_cast %swap3A_492 : vector<1x16xf32> to vector<16xf32>
      %swap3A_494 = vector.shape_cast %scan3A_479#1 : vector<16xf32> to vector<1x16xf32>
      tpu.vector_store %arg7[%swap3A_490, %swap3A_491], %swap3A_494 {strides = array<i32>} : memref<128x128xf32, #tpu.memory_space<vmem>>, vector<1x16xf32>,
      %swap3A_495 = arith.index_cast %add3A_484 : i32 to index
      %swap3A_496 = arith.constant 32 : index
      %swap3A_497 = tpu.vector_load %arg7[%swap3A_495, %swap3A_496] {strides = array<i32>} : memref<128x128xf32, #tpu.memory_space<vmem>>, vector<1x16xf32>,
      %swap3A_498 = vector.shape_cast %swap3A_497 : vector<1x16xf32> to vector<16xf32>
      %swap3A_499 = vector.shape_cast %scan3A_479#2 : vector<16xf32> to vector<1x16xf32>
      tpu.vector_store %arg7[%swap3A_495, %swap3A_496], %swap3A_499 {strides = array<i32>} : memref<128x128xf32, #tpu.memory_space<vmem>>, vector<1x16xf32>,
      %swap3A_500 = arith.index_cast %add3A_484 : i32 to index
      %swap3A_501 = arith.constant 48 : index
      %swap3A_502 = tpu.vector_load %arg7[%swap3A_500, %swap3A_501] {strides = array<i32>} : memref<128x128xf32, #tpu.memory_space<vmem>>, vector<1x16xf32>,
      %swap3A_503 = vector.shape_cast %swap3A_502 : vector<1x16xf32> to vector<16xf32>
      %swap3A_504 = vector.shape_cast %scan3A_479#3 : vector<16xf32> to vector<1x16xf32>
      tpu.vector_store %arg7[%swap3A_500, %swap3A_501], %swap3A_504 {strides = array<i32>} : memref<128x128xf32, #tpu.memory_space<vmem>>, vector<1x16xf32>,
      %swap3A_505 = arith.index_cast %add3A_484 : i32 to index
      %swap3A_506 = arith.constant 64 : index
      %swap3A_507 = tpu.vector_load %arg7[%swap3A_505, %swap3A_506] {strides = array<i32>} : memref<128x128xf32, #tpu.memory_space<vmem>>, vector<1x16xf32>,
      %swap3A_508 = vector.shape_cast %swap3A_507 : vector<1x16xf32> to vector<16xf32>
      %swap3A_509 = vector.shape_cast %scan3A_479#4 : vector<16xf32> to vector<1x16xf32>
      tpu.vector_store %arg7[%swap3A_505, %swap3A_506], %swap3A_509 {strides = array<i32>} : memref<128x128xf32, #tpu.memory_space<vmem>>, vector<1x16xf32>,
      %swap3A_510 = arith.index_cast %add3A_484 : i32 to index
      %swap3A_511 = arith.constant 80 : index
      %swap3A_512 = tpu.vector_load %arg7[%swap3A_510, %swap3A_511] {strides = array<i32>} : memref<128x128xf32, #tpu.memory_space<vmem>>, vector<1x16xf32>,
      %swap3A_513 = vector.shape_cast %swap3A_512 : vector<1x16xf32> to vector<16xf32>
      %swap3A_514 = vector.shape_cast %scan3A_479#5 : vector<16xf32> to vector<1x16xf32>
      tpu.vector_store %arg7[%swap3A_510, %swap3A_511], %swap3A_514 {strides = array<i32>} : memref<128x128xf32, #tpu.memory_space<vmem>>, vector<1x16xf32>,
      %swap3A_515 = arith.index_cast %add3A_484 : i32 to index
      %swap3A_516 = arith.constant 96 : index
      %swap3A_517 = tpu.vector_load %arg7[%swap3A_515, %swap3A_516] {strides = array<i32>} : memref<128x128xf32, #tpu.memory_space<vmem>>, vector<1x16xf32>,
      %swap3A_518 = vector.shape_cast %swap3A_517 : vector<1x16xf32> to vector<16xf32>
      %swap3A_519 = vector.shape_cast %scan3A_479#6 : vector<16xf32> to vector<1x16xf32>
      tpu.vector_store %arg7[%swap3A_515, %swap3A_516], %swap3A_519 {strides = array<i32>} : memref<128x128xf32, #tpu.memory_space<vmem>>, vector<1x16xf32>,
      %swap3A_520 = arith.index_cast %add3A_484 : i32 to index
      %swap3A_521 = arith.constant 112 : index
      %swap3A_522 = tpu.vector_load %arg7[%swap3A_520, %swap3A_521] {strides = array<i32>} : memref<128x128xf32, #tpu.memory_space<vmem>>, vector<1x16xf32>,
      %swap3A_523 = vector.shape_cast %swap3A_522 : vector<1x16xf32> to vector<16xf32>
      %swap3A_524 = vector.shape_cast %scan3A_479#7 : vector<16xf32> to vector<1x16xf32>
      tpu.vector_store %arg7[%swap3A_520, %swap3A_521], %swap3A_524 {strides = array<i32>} : memref<128x128xf32, #tpu.memory_space<vmem>>, vector<1x16xf32>,
      %lt3A_525 = arith.constant 15 : i32
      %lt3A_526 = arith.cmpi slt, %scan3A_105, %lt3A_525 : i32
      %convert_element_type3A_527 = arith.extui %lt3A_526 : i1 to i32
      %cond3A_528 = arith.constant 0 : i32
      %cond3A_529 = arith.cmpi ne, %convert_element_type3A_527, %cond3A_528 : i32
      scf.if %cond3A_529 {
        %add3A_788 = arith.constant 8 : i32
        %add3A_789 = arith.addi %add3A_447, %add3A_788 : i32
        %dma_start3A_790 = arith.constant 4 : i32
        %dma_start3A_791 = arith.constant 0 : i32
        %dma_start3A_792 = arith.constant 0 : i32
        %dma_start3A_793 = tpu.memref_slice %arg6[%dma_start3A_790, %dma_start3A_791, %dma_start3A_792] : memref<8x50x128xf32, #tpu.memory_space<vmem>> -> memref<1x50x128xf32, #tpu.memory_space<vmem>>
        %dma_start3A_794 = tpu.memref_squeeze %dma_start3A_793 : memref<1x50x128xf32, #tpu.memory_space<vmem>> -> memref<50x128xf32, #tpu.memory_space<vmem>>
        %dma_start3A_795 = arith.constant 0 : i32
        %dma_start3A_796 = tpu.memref_slice %arg5[%add3A_789, %dma_start3A_795] : memref<128x50xi32, #tpu.memory_space<vmem>> -> memref<1x50xi32, #tpu.memory_space<vmem>>
        %dma_start3A_797 = tpu.memref_squeeze %dma_start3A_796 : memref<1x50xi32, #tpu.memory_space<vmem>> -> memref<50xi32, #tpu.memory_space<vmem>>
        %dma_start3A_798 = arith.constant 0 : i32
        %dma_start3A_799 = arith.constant 0 : i32
        %dma_start3A_800 = tpu.memref_slice %arg3[%dma_start3A_798, %dma_start3A_799] : memref<101000x128xf32, #tpu.memory_space<hbm>> -> memref<101000x128xf32, #tpu.memory_space<hbm>>
        tpu.enqueue_indirect_dma source(%dma_start3A_800 : memref<101000x128xf32, #tpu.memory_space<hbm>>) target(%dma_start3A_794 : memref<50x128xf32, #tpu.memory_space<vmem>>) offsets(%dma_start3A_797 : memref<50xi32, #tpu.memory_space<vmem>>) semaphore(%arg12 : memref<!tpu.dma_semaphore, #tpu.memory_space<semaphore_mem>>)
      } else {
      }
      %mul3A_530 = arith.constant 8 : i32
      %mul3A_531 = arith.muli %mul3A_530, %scan3A_105 : i32
      %add3A_532 = arith.constant 5 : i32
      %add3A_533 = arith.addi %mul3A_531, %add3A_532 : i32
      %dma_wait3A_534 = arith.constant 5 : i32
      %dma_wait3A_535 = arith.constant 0 : i32
      %dma_wait3A_536 = arith.constant 0 : i32
      %dma_wait3A_537 = tpu.memref_slice %arg6[%dma_wait3A_534, %dma_wait3A_535, %dma_wait3A_536] : memref<8x50x128xf32, #tpu.memory_space<vmem>> -> memref<1x50x128xf32, #tpu.memory_space<vmem>>
      %dma_wait3A_538 = tpu.memref_squeeze %dma_wait3A_537 : memref<1x50x128xf32, #tpu.memory_space<vmem>> -> memref<50x128xf32, #tpu.memory_space<vmem>>
      %dma_wait3A_539 = arith.constant 0 : i32
      %dma_wait3A_540 = tpu.memref_slice %arg5[%add3A_533, %dma_wait3A_539] : memref<128x50xi32, #tpu.memory_space<vmem>> -> memref<1x50xi32, #tpu.memory_space<vmem>>
      %dma_wait3A_541 = tpu.memref_squeeze %dma_wait3A_540 : memref<1x50xi32, #tpu.memory_space<vmem>> -> memref<50xi32, #tpu.memory_space<vmem>>
      %dma_wait3A_542 = arith.constant 0 : i32
      %dma_wait3A_543 = arith.constant 0 : i32
      %dma_wait3A_544 = tpu.memref_slice %arg3[%dma_wait3A_542, %dma_wait3A_543] : memref<101000x128xf32, #tpu.memory_space<hbm>> -> memref<101000x128xf32, #tpu.memory_space<hbm>>
      tpu.wait_indirect_dma semaphore(%arg13 : memref<!tpu.dma_semaphore, #tpu.memory_space<semaphore_mem>>) src(%dma_wait3A_544 : memref<101000x128xf32, #tpu.memory_space<hbm>>) dst(%dma_wait3A_538 : memref<50x128xf32, #tpu.memory_space<vmem>>)
      %broadcast_in_dim3A_545 = arith.constant 0.000000e+00 : f32
      %broadcast_in_dim3A_546 = vector.broadcast %broadcast_in_dim3A_545 : f32 to vector<16xf32>
      %broadcast_in_dim3A_547 = arith.constant 0.000000e+00 : f32
      %broadcast_in_dim3A_548 = vector.broadcast %broadcast_in_dim3A_547 : f32 to vector<16xf32>
      %broadcast_in_dim3A_549 = arith.constant 0.000000e+00 : f32
      %broadcast_in_dim3A_550 = vector.broadcast %broadcast_in_dim3A_549 : f32 to vector<16xf32>
      %broadcast_in_dim3A_551 = arith.constant 0.000000e+00 : f32
      %broadcast_in_dim3A_552 = vector.broadcast %broadcast_in_dim3A_551 : f32 to vector<16xf32>
      %broadcast_in_dim3A_553 = arith.constant 0.000000e+00 : f32
      %broadcast_in_dim3A_554 = vector.broadcast %broadcast_in_dim3A_553 : f32 to vector<16xf32>
      %broadcast_in_dim3A_555 = arith.constant 0.000000e+00 : f32
      %broadcast_in_dim3A_556 = vector.broadcast %broadcast_in_dim3A_555 : f32 to vector<16xf32>
      %broadcast_in_dim3A_557 = arith.constant 0.000000e+00 : f32
      %broadcast_in_dim3A_558 = vector.broadcast %broadcast_in_dim3A_557 : f32 to vector<16xf32>
      %broadcast_in_dim3A_559 = arith.constant 0.000000e+00 : f32
      %broadcast_in_dim3A_560 = vector.broadcast %broadcast_in_dim3A_559 : f32 to vector<16xf32>
      %scan3A_561 = arith.constant 0 : i32
      %scan3A_562 = arith.constant 50 : i32
      %scan3A_563 = arith.addi %scan3A_561, %scan3A_562 : i32
      %scan3A_564 = arith.constant 1 : i32
      %scan3A_565:8 = scf.for %scan3A_788 = %scan3A_561 to %scan3A_563 step %scan3A_564 iter_args(%scan3A_789 = %broadcast_in_dim3A_546, %scan3A_790 = %broadcast_in_dim3A_548, %scan3A_791 = %broadcast_in_dim3A_550, %scan3A_792 = %broadcast_in_dim3A_552, %scan3A_793 = %broadcast_in_dim3A_554, %scan3A_794 = %broadcast_in_dim3A_556, %scan3A_795 = %broadcast_in_dim3A_558, %scan3A_796 = %broadcast_in_dim3A_560) -> (vector<16xf32>, vector<16xf32>, vector<16xf32>, vector<16xf32>, vector<16xf32>, vector<16xf32>, vector<16xf32>, vector<16xf32>)  : i32 {
        %mul3A_797 = arith.constant 1 : i32
        %mul3A_798 = arith.muli %scan3A_788, %mul3A_797 : i32
        %add3A_799 = arith.constant 0 : i32
        %add3A_800 = arith.addi %add3A_799, %mul3A_798 : i32
        %add3A_801 = arith.constant 0 : i32
        %add3A_802 = arith.addi %add3A_800, %add3A_801 : i32
        %get3A = arith.constant 5 : i32
        %get3A_803 = arith.index_cast %get3A : i32 to index
        %get3A_804 = arith.index_cast %add3A_802 : i32 to index
        %get3A_805 = arith.constant 0 : index
        %get3A_806 = tpu.vector_load %arg6[%get3A_803, %get3A_804, %get3A_805] {strides = array<i32>} : memref<8x50x128xf32, #tpu.memory_space<vmem>>, vector<1x1x16xf32>,
        %get3A_807 = vector.shape_cast %get3A_806 : vector<1x1x16xf32> to vector<16xf32>
        %add3A_808 = arith.addf %scan3A_789, %get3A_807 : vector<16xf32>
        %add3A_809 = arith.constant 0 : i32
        %add3A_810 = arith.addi %add3A_800, %add3A_809 : i32
        %get3A_811 = arith.constant 5 : i32
        %get3A_812 = arith.index_cast %get3A_811 : i32 to index
        %get3A_813 = arith.index_cast %add3A_810 : i32 to index
        %get3A_814 = arith.constant 16 : index
        %get3A_815 = tpu.vector_load %arg6[%get3A_812, %get3A_813, %get3A_814] {strides = array<i32>} : memref<8x50x128xf32, #tpu.memory_space<vmem>>, vector<1x1x16xf32>,
        %get3A_816 = vector.shape_cast %get3A_815 : vector<1x1x16xf32> to vector<16xf32>
        %add3A_817 = arith.addf %scan3A_790, %get3A_816 : vector<16xf32>
        %add3A_818 = arith.constant 0 : i32
        %add3A_819 = arith.addi %add3A_800, %add3A_818 : i32
        %get3A_820 = arith.constant 5 : i32
        %get3A_821 = arith.index_cast %get3A_820 : i32 to index
        %get3A_822 = arith.index_cast %add3A_819 : i32 to index
        %get3A_823 = arith.constant 32 : index
        %get3A_824 = tpu.vector_load %arg6[%get3A_821, %get3A_822, %get3A_823] {strides = array<i32>} : memref<8x50x128xf32, #tpu.memory_space<vmem>>, vector<1x1x16xf32>,
        %get3A_825 = vector.shape_cast %get3A_824 : vector<1x1x16xf32> to vector<16xf32>
        %add3A_826 = arith.addf %scan3A_791, %get3A_825 : vector<16xf32>
        %add3A_827 = arith.constant 0 : i32
        %add3A_828 = arith.addi %add3A_800, %add3A_827 : i32
        %get3A_829 = arith.constant 5 : i32
        %get3A_830 = arith.index_cast %get3A_829 : i32 to index
        %get3A_831 = arith.index_cast %add3A_828 : i32 to index
        %get3A_832 = arith.constant 48 : index
        %get3A_833 = tpu.vector_load %arg6[%get3A_830, %get3A_831, %get3A_832] {strides = array<i32>} : memref<8x50x128xf32, #tpu.memory_space<vmem>>, vector<1x1x16xf32>,
        %get3A_834 = vector.shape_cast %get3A_833 : vector<1x1x16xf32> to vector<16xf32>
        %add3A_835 = arith.addf %scan3A_792, %get3A_834 : vector<16xf32>
        %add3A_836 = arith.constant 0 : i32
        %add3A_837 = arith.addi %add3A_800, %add3A_836 : i32
        %get3A_838 = arith.constant 5 : i32
        %get3A_839 = arith.index_cast %get3A_838 : i32 to index
        %get3A_840 = arith.index_cast %add3A_837 : i32 to index
        %get3A_841 = arith.constant 64 : index
        %get3A_842 = tpu.vector_load %arg6[%get3A_839, %get3A_840, %get3A_841] {strides = array<i32>} : memref<8x50x128xf32, #tpu.memory_space<vmem>>, vector<1x1x16xf32>,
        %get3A_843 = vector.shape_cast %get3A_842 : vector<1x1x16xf32> to vector<16xf32>
        %add3A_844 = arith.addf %scan3A_793, %get3A_843 : vector<16xf32>
        %add3A_845 = arith.constant 0 : i32
        %add3A_846 = arith.addi %add3A_800, %add3A_845 : i32
        %get3A_847 = arith.constant 5 : i32
        %get3A_848 = arith.index_cast %get3A_847 : i32 to index
        %get3A_849 = arith.index_cast %add3A_846 : i32 to index
        %get3A_850 = arith.constant 80 : index
        %get3A_851 = tpu.vector_load %arg6[%get3A_848, %get3A_849, %get3A_850] {strides = array<i32>} : memref<8x50x128xf32, #tpu.memory_space<vmem>>, vector<1x1x16xf32>,
        %get3A_852 = vector.shape_cast %get3A_851 : vector<1x1x16xf32> to vector<16xf32>
        %add3A_853 = arith.addf %scan3A_794, %get3A_852 : vector<16xf32>
        %add3A_854 = arith.constant 0 : i32
        %add3A_855 = arith.addi %add3A_800, %add3A_854 : i32
        %get3A_856 = arith.constant 5 : i32
        %get3A_857 = arith.index_cast %get3A_856 : i32 to index
        %get3A_858 = arith.index_cast %add3A_855 : i32 to index
        %get3A_859 = arith.constant 96 : index
        %get3A_860 = tpu.vector_load %arg6[%get3A_857, %get3A_858, %get3A_859] {strides = array<i32>} : memref<8x50x128xf32, #tpu.memory_space<vmem>>, vector<1x1x16xf32>,
        %get3A_861 = vector.shape_cast %get3A_860 : vector<1x1x16xf32> to vector<16xf32>
        %add3A_862 = arith.addf %scan3A_795, %get3A_861 : vector<16xf32>
        %add3A_863 = arith.constant 0 : i32
        %add3A_864 = arith.addi %add3A_800, %add3A_863 : i32
        %get3A_865 = arith.constant 5 : i32
        %get3A_866 = arith.index_cast %get3A_865 : i32 to index
        %get3A_867 = arith.index_cast %add3A_864 : i32 to index
        %get3A_868 = arith.constant 112 : index
        %get3A_869 = tpu.vector_load %arg6[%get3A_866, %get3A_867, %get3A_868] {strides = array<i32>} : memref<8x50x128xf32, #tpu.memory_space<vmem>>, vector<1x1x16xf32>,
        %get3A_870 = vector.shape_cast %get3A_869 : vector<1x1x16xf32> to vector<16xf32>
        %add3A_871 = arith.addf %scan3A_796, %get3A_870 : vector<16xf32>
        scf.yield %add3A_808, %add3A_817, %add3A_826, %add3A_835, %add3A_844, %add3A_853, %add3A_862, %add3A_871 : vector<16xf32>, vector<16xf32>, vector<16xf32>, vector<16xf32>, vector<16xf32>, vector<16xf32>, vector<16xf32>, vector<16xf32>
      }
      %scan3A_566 = arith.constant 50 : i32
      %mul3A_567 = arith.constant 1 : i32
      %mul3A_568 = arith.muli %add3A_533, %mul3A_567 : i32
      %add3A_569 = arith.constant 0 : i32
      %add3A_570 = arith.addi %mul3A_568, %add3A_569 : i32
      %swap3A_571 = arith.index_cast %add3A_570 : i32 to index
      %swap3A_572 = arith.constant 0 : index
      %swap3A_573 = tpu.vector_load %arg7[%swap3A_571, %swap3A_572] {strides = array<i32>} : memref<128x128xf32, #tpu.memory_space<vmem>>, vector<1x16xf32>,
      %swap3A_574 = vector.shape_cast %swap3A_573 : vector<1x16xf32> to vector<16xf32>
      %swap3A_575 = vector.shape_cast %scan3A_565#0 : vector<16xf32> to vector<1x16xf32>
      tpu.vector_store %arg7[%swap3A_571, %swap3A_572], %swap3A_575 {strides = array<i32>} : memref<128x128xf32, #tpu.memory_space<vmem>>, vector<1x16xf32>,
      %swap3A_576 = arith.index_cast %add3A_570 : i32 to index
      %swap3A_577 = arith.constant 16 : index
      %swap3A_578 = tpu.vector_load %arg7[%swap3A_576, %swap3A_577] {strides = array<i32>} : memref<128x128xf32, #tpu.memory_space<vmem>>, vector<1x16xf32>,
      %swap3A_579 = vector.shape_cast %swap3A_578 : vector<1x16xf32> to vector<16xf32>
      %swap3A_580 = vector.shape_cast %scan3A_565#1 : vector<16xf32> to vector<1x16xf32>
      tpu.vector_store %arg7[%swap3A_576, %swap3A_577], %swap3A_580 {strides = array<i32>} : memref<128x128xf32, #tpu.memory_space<vmem>>, vector<1x16xf32>,
      %swap3A_581 = arith.index_cast %add3A_570 : i32 to index
      %swap3A_582 = arith.constant 32 : index
      %swap3A_583 = tpu.vector_load %arg7[%swap3A_581, %swap3A_582] {strides = array<i32>} : memref<128x128xf32, #tpu.memory_space<vmem>>, vector<1x16xf32>,
      %swap3A_584 = vector.shape_cast %swap3A_583 : vector<1x16xf32> to vector<16xf32>
      %swap3A_585 = vector.shape_cast %scan3A_565#2 : vector<16xf32> to vector<1x16xf32>
      tpu.vector_store %arg7[%swap3A_581, %swap3A_582], %swap3A_585 {strides = array<i32>} : memref<128x128xf32, #tpu.memory_space<vmem>>, vector<1x16xf32>,
      %swap3A_586 = arith.index_cast %add3A_570 : i32 to index
      %swap3A_587 = arith.constant 48 : index
      %swap3A_588 = tpu.vector_load %arg7[%swap3A_586, %swap3A_587] {strides = array<i32>} : memref<128x128xf32, #tpu.memory_space<vmem>>, vector<1x16xf32>,
      %swap3A_589 = vector.shape_cast %swap3A_588 : vector<1x16xf32> to vector<16xf32>
      %swap3A_590 = vector.shape_cast %scan3A_565#3 : vector<16xf32> to vector<1x16xf32>
      tpu.vector_store %arg7[%swap3A_586, %swap3A_587], %swap3A_590 {strides = array<i32>} : memref<128x128xf32, #tpu.memory_space<vmem>>, vector<1x16xf32>,
      %swap3A_591 = arith.index_cast %add3A_570 : i32 to index
      %swap3A_592 = arith.constant 64 : index
      %swap3A_593 = tpu.vector_load %arg7[%swap3A_591, %swap3A_592] {strides = array<i32>} : memref<128x128xf32, #tpu.memory_space<vmem>>, vector<1x16xf32>,
      %swap3A_594 = vector.shape_cast %swap3A_593 : vector<1x16xf32> to vector<16xf32>
      %swap3A_595 = vector.shape_cast %scan3A_565#4 : vector<16xf32> to vector<1x16xf32>
      tpu.vector_store %arg7[%swap3A_591, %swap3A_592], %swap3A_595 {strides = array<i32>} : memref<128x128xf32, #tpu.memory_space<vmem>>, vector<1x16xf32>,
      %swap3A_596 = arith.index_cast %add3A_570 : i32 to index
      %swap3A_597 = arith.constant 80 : index
      %swap3A_598 = tpu.vector_load %arg7[%swap3A_596, %swap3A_597] {strides = array<i32>} : memref<128x128xf32, #tpu.memory_space<vmem>>, vector<1x16xf32>,
      %swap3A_599 = vector.shape_cast %swap3A_598 : vector<1x16xf32> to vector<16xf32>
      %swap3A_600 = vector.shape_cast %scan3A_565#5 : vector<16xf32> to vector<1x16xf32>
      tpu.vector_store %arg7[%swap3A_596, %swap3A_597], %swap3A_600 {strides = array<i32>} : memref<128x128xf32, #tpu.memory_space<vmem>>, vector<1x16xf32>,
      %swap3A_601 = arith.index_cast %add3A_570 : i32 to index
      %swap3A_602 = arith.constant 96 : index
      %swap3A_603 = tpu.vector_load %arg7[%swap3A_601, %swap3A_602] {strides = array<i32>} : memref<128x128xf32, #tpu.memory_space<vmem>>, vector<1x16xf32>,
      %swap3A_604 = vector.shape_cast %swap3A_603 : vector<1x16xf32> to vector<16xf32>
      %swap3A_605 = vector.shape_cast %scan3A_565#6 : vector<16xf32> to vector<1x16xf32>
      tpu.vector_store %arg7[%swap3A_601, %swap3A_602], %swap3A_605 {strides = array<i32>} : memref<128x128xf32, #tpu.memory_space<vmem>>, vector<1x16xf32>,
      %swap3A_606 = arith.index_cast %add3A_570 : i32 to index
      %swap3A_607 = arith.constant 112 : index
      %swap3A_608 = tpu.vector_load %arg7[%swap3A_606, %swap3A_607] {strides = array<i32>} : memref<128x128xf32, #tpu.memory_space<vmem>>, vector<1x16xf32>,
      %swap3A_609 = vector.shape_cast %swap3A_608 : vector<1x16xf32> to vector<16xf32>
      %swap3A_610 = vector.shape_cast %scan3A_565#7 : vector<16xf32> to vector<1x16xf32>
      tpu.vector_store %arg7[%swap3A_606, %swap3A_607], %swap3A_610 {strides = array<i32>} : memref<128x128xf32, #tpu.memory_space<vmem>>, vector<1x16xf32>,
      %lt3A_611 = arith.constant 15 : i32
      %lt3A_612 = arith.cmpi slt, %scan3A_105, %lt3A_611 : i32
      %convert_element_type3A_613 = arith.extui %lt3A_612 : i1 to i32
      %cond3A_614 = arith.constant 0 : i32
      %cond3A_615 = arith.cmpi ne, %convert_element_type3A_613, %cond3A_614 : i32
      scf.if %cond3A_615 {
        %add3A_788 = arith.constant 8 : i32
        %add3A_789 = arith.addi %add3A_533, %add3A_788 : i32
        %dma_start3A_790 = arith.constant 5 : i32
        %dma_start3A_791 = arith.constant 0 : i32
        %dma_start3A_792 = arith.constant 0 : i32
        %dma_start3A_793 = tpu.memref_slice %arg6[%dma_start3A_790, %dma_start3A_791, %dma_start3A_792] : memref<8x50x128xf32, #tpu.memory_space<vmem>> -> memref<1x50x128xf32, #tpu.memory_space<vmem>>
        %dma_start3A_794 = tpu.memref_squeeze %dma_start3A_793 : memref<1x50x128xf32, #tpu.memory_space<vmem>> -> memref<50x128xf32, #tpu.memory_space<vmem>>
        %dma_start3A_795 = arith.constant 0 : i32
        %dma_start3A_796 = tpu.memref_slice %arg5[%add3A_789, %dma_start3A_795] : memref<128x50xi32, #tpu.memory_space<vmem>> -> memref<1x50xi32, #tpu.memory_space<vmem>>
        %dma_start3A_797 = tpu.memref_squeeze %dma_start3A_796 : memref<1x50xi32, #tpu.memory_space<vmem>> -> memref<50xi32, #tpu.memory_space<vmem>>
        %dma_start3A_798 = arith.constant 0 : i32
        %dma_start3A_799 = arith.constant 0 : i32
        %dma_start3A_800 = tpu.memref_slice %arg3[%dma_start3A_798, %dma_start3A_799] : memref<101000x128xf32, #tpu.memory_space<hbm>> -> memref<101000x128xf32, #tpu.memory_space<hbm>>
        tpu.enqueue_indirect_dma source(%dma_start3A_800 : memref<101000x128xf32, #tpu.memory_space<hbm>>) target(%dma_start3A_794 : memref<50x128xf32, #tpu.memory_space<vmem>>) offsets(%dma_start3A_797 : memref<50xi32, #tpu.memory_space<vmem>>) semaphore(%arg13 : memref<!tpu.dma_semaphore, #tpu.memory_space<semaphore_mem>>)
      } else {
      }
      %mul3A_616 = arith.constant 8 : i32
      %mul3A_617 = arith.muli %mul3A_616, %scan3A_105 : i32
      %add3A_618 = arith.constant 6 : i32
      %add3A_619 = arith.addi %mul3A_617, %add3A_618 : i32
      %dma_wait3A_620 = arith.constant 6 : i32
      %dma_wait3A_621 = arith.constant 0 : i32
      %dma_wait3A_622 = arith.constant 0 : i32
      %dma_wait3A_623 = tpu.memref_slice %arg6[%dma_wait3A_620, %dma_wait3A_621, %dma_wait3A_622] : memref<8x50x128xf32, #tpu.memory_space<vmem>> -> memref<1x50x128xf32, #tpu.memory_space<vmem>>
      %dma_wait3A_624 = tpu.memref_squeeze %dma_wait3A_623 : memref<1x50x128xf32, #tpu.memory_space<vmem>> -> memref<50x128xf32, #tpu.memory_space<vmem>>
      %dma_wait3A_625 = arith.constant 0 : i32
      %dma_wait3A_626 = tpu.memref_slice %arg5[%add3A_619, %dma_wait3A_625] : memref<128x50xi32, #tpu.memory_space<vmem>> -> memref<1x50xi32, #tpu.memory_space<vmem>>
      %dma_wait3A_627 = tpu.memref_squeeze %dma_wait3A_626 : memref<1x50xi32, #tpu.memory_space<vmem>> -> memref<50xi32, #tpu.memory_space<vmem>>
      %dma_wait3A_628 = arith.constant 0 : i32
      %dma_wait3A_629 = arith.constant 0 : i32
      %dma_wait3A_630 = tpu.memref_slice %arg3[%dma_wait3A_628, %dma_wait3A_629] : memref<101000x128xf32, #tpu.memory_space<hbm>> -> memref<101000x128xf32, #tpu.memory_space<hbm>>
      tpu.wait_indirect_dma semaphore(%arg14 : memref<!tpu.dma_semaphore, #tpu.memory_space<semaphore_mem>>) src(%dma_wait3A_630 : memref<101000x128xf32, #tpu.memory_space<hbm>>) dst(%dma_wait3A_624 : memref<50x128xf32, #tpu.memory_space<vmem>>)
      %broadcast_in_dim3A_631 = arith.constant 0.000000e+00 : f32
      %broadcast_in_dim3A_632 = vector.broadcast %broadcast_in_dim3A_631 : f32 to vector<16xf32>
      %broadcast_in_dim3A_633 = arith.constant 0.000000e+00 : f32
      %broadcast_in_dim3A_634 = vector.broadcast %broadcast_in_dim3A_633 : f32 to vector<16xf32>
      %broadcast_in_dim3A_635 = arith.constant 0.000000e+00 : f32
      %broadcast_in_dim3A_636 = vector.broadcast %broadcast_in_dim3A_635 : f32 to vector<16xf32>
      %broadcast_in_dim3A_637 = arith.constant 0.000000e+00 : f32
      %broadcast_in_dim3A_638 = vector.broadcast %broadcast_in_dim3A_637 : f32 to vector<16xf32>
      %broadcast_in_dim3A_639 = arith.constant 0.000000e+00 : f32
      %broadcast_in_dim3A_640 = vector.broadcast %broadcast_in_dim3A_639 : f32 to vector<16xf32>
      %broadcast_in_dim3A_641 = arith.constant 0.000000e+00 : f32
      %broadcast_in_dim3A_642 = vector.broadcast %broadcast_in_dim3A_641 : f32 to vector<16xf32>
      %broadcast_in_dim3A_643 = arith.constant 0.000000e+00 : f32
      %broadcast_in_dim3A_644 = vector.broadcast %broadcast_in_dim3A_643 : f32 to vector<16xf32>
      %broadcast_in_dim3A_645 = arith.constant 0.000000e+00 : f32
      %broadcast_in_dim3A_646 = vector.broadcast %broadcast_in_dim3A_645 : f32 to vector<16xf32>
      %scan3A_647 = arith.constant 0 : i32
      %scan3A_648 = arith.constant 50 : i32
      %scan3A_649 = arith.addi %scan3A_647, %scan3A_648 : i32
      %scan3A_650 = arith.constant 1 : i32
      %scan3A_651:8 = scf.for %scan3A_788 = %scan3A_647 to %scan3A_649 step %scan3A_650 iter_args(%scan3A_789 = %broadcast_in_dim3A_632, %scan3A_790 = %broadcast_in_dim3A_634, %scan3A_791 = %broadcast_in_dim3A_636, %scan3A_792 = %broadcast_in_dim3A_638, %scan3A_793 = %broadcast_in_dim3A_640, %scan3A_794 = %broadcast_in_dim3A_642, %scan3A_795 = %broadcast_in_dim3A_644, %scan3A_796 = %broadcast_in_dim3A_646) -> (vector<16xf32>, vector<16xf32>, vector<16xf32>, vector<16xf32>, vector<16xf32>, vector<16xf32>, vector<16xf32>, vector<16xf32>)  : i32 {
        %mul3A_797 = arith.constant 1 : i32
        %mul3A_798 = arith.muli %scan3A_788, %mul3A_797 : i32
        %add3A_799 = arith.constant 0 : i32
        %add3A_800 = arith.addi %add3A_799, %mul3A_798 : i32
        %add3A_801 = arith.constant 0 : i32
        %add3A_802 = arith.addi %add3A_800, %add3A_801 : i32
        %get3A = arith.constant 6 : i32
        %get3A_803 = arith.index_cast %get3A : i32 to index
        %get3A_804 = arith.index_cast %add3A_802 : i32 to index
        %get3A_805 = arith.constant 0 : index
        %get3A_806 = tpu.vector_load %arg6[%get3A_803, %get3A_804, %get3A_805] {strides = array<i32>} : memref<8x50x128xf32, #tpu.memory_space<vmem>>, vector<1x1x16xf32>,
        %get3A_807 = vector.shape_cast %get3A_806 : vector<1x1x16xf32> to vector<16xf32>
        %add3A_808 = arith.addf %scan3A_789, %get3A_807 : vector<16xf32>
        %add3A_809 = arith.constant 0 : i32
        %add3A_810 = arith.addi %add3A_800, %add3A_809 : i32
        %get3A_811 = arith.constant 6 : i32
        %get3A_812 = arith.index_cast %get3A_811 : i32 to index
        %get3A_813 = arith.index_cast %add3A_810 : i32 to index
        %get3A_814 = arith.constant 16 : index
        %get3A_815 = tpu.vector_load %arg6[%get3A_812, %get3A_813, %get3A_814] {strides = array<i32>} : memref<8x50x128xf32, #tpu.memory_space<vmem>>, vector<1x1x16xf32>,
        %get3A_816 = vector.shape_cast %get3A_815 : vector<1x1x16xf32> to vector<16xf32>
        %add3A_817 = arith.addf %scan3A_790, %get3A_816 : vector<16xf32>
        %add3A_818 = arith.constant 0 : i32
        %add3A_819 = arith.addi %add3A_800, %add3A_818 : i32
        %get3A_820 = arith.constant 6 : i32
        %get3A_821 = arith.index_cast %get3A_820 : i32 to index
        %get3A_822 = arith.index_cast %add3A_819 : i32 to index
        %get3A_823 = arith.constant 32 : index
        %get3A_824 = tpu.vector_load %arg6[%get3A_821, %get3A_822, %get3A_823] {strides = array<i32>} : memref<8x50x128xf32, #tpu.memory_space<vmem>>, vector<1x1x16xf32>,
        %get3A_825 = vector.shape_cast %get3A_824 : vector<1x1x16xf32> to vector<16xf32>
        %add3A_826 = arith.addf %scan3A_791, %get3A_825 : vector<16xf32>
        %add3A_827 = arith.constant 0 : i32
        %add3A_828 = arith.addi %add3A_800, %add3A_827 : i32
        %get3A_829 = arith.constant 6 : i32
        %get3A_830 = arith.index_cast %get3A_829 : i32 to index
        %get3A_831 = arith.index_cast %add3A_828 : i32 to index
        %get3A_832 = arith.constant 48 : index
        %get3A_833 = tpu.vector_load %arg6[%get3A_830, %get3A_831, %get3A_832] {strides = array<i32>} : memref<8x50x128xf32, #tpu.memory_space<vmem>>, vector<1x1x16xf32>,
        %get3A_834 = vector.shape_cast %get3A_833 : vector<1x1x16xf32> to vector<16xf32>
        %add3A_835 = arith.addf %scan3A_792, %get3A_834 : vector<16xf32>
        %add3A_836 = arith.constant 0 : i32
        %add3A_837 = arith.addi %add3A_800, %add3A_836 : i32
        %get3A_838 = arith.constant 6 : i32
        %get3A_839 = arith.index_cast %get3A_838 : i32 to index
        %get3A_840 = arith.index_cast %add3A_837 : i32 to index
        %get3A_841 = arith.constant 64 : index
        %get3A_842 = tpu.vector_load %arg6[%get3A_839, %get3A_840, %get3A_841] {strides = array<i32>} : memref<8x50x128xf32, #tpu.memory_space<vmem>>, vector<1x1x16xf32>,
        %get3A_843 = vector.shape_cast %get3A_842 : vector<1x1x16xf32> to vector<16xf32>
        %add3A_844 = arith.addf %scan3A_793, %get3A_843 : vector<16xf32>
        %add3A_845 = arith.constant 0 : i32
        %add3A_846 = arith.addi %add3A_800, %add3A_845 : i32
        %get3A_847 = arith.constant 6 : i32
        %get3A_848 = arith.index_cast %get3A_847 : i32 to index
        %get3A_849 = arith.index_cast %add3A_846 : i32 to index
        %get3A_850 = arith.constant 80 : index
        %get3A_851 = tpu.vector_load %arg6[%get3A_848, %get3A_849, %get3A_850] {strides = array<i32>} : memref<8x50x128xf32, #tpu.memory_space<vmem>>, vector<1x1x16xf32>,
        %get3A_852 = vector.shape_cast %get3A_851 : vector<1x1x16xf32> to vector<16xf32>
        %add3A_853 = arith.addf %scan3A_794, %get3A_852 : vector<16xf32>
        %add3A_854 = arith.constant 0 : i32
        %add3A_855 = arith.addi %add3A_800, %add3A_854 : i32
        %get3A_856 = arith.constant 6 : i32
        %get3A_857 = arith.index_cast %get3A_856 : i32 to index
        %get3A_858 = arith.index_cast %add3A_855 : i32 to index
        %get3A_859 = arith.constant 96 : index
        %get3A_860 = tpu.vector_load %arg6[%get3A_857, %get3A_858, %get3A_859] {strides = array<i32>} : memref<8x50x128xf32, #tpu.memory_space<vmem>>, vector<1x1x16xf32>,
        %get3A_861 = vector.shape_cast %get3A_860 : vector<1x1x16xf32> to vector<16xf32>
        %add3A_862 = arith.addf %scan3A_795, %get3A_861 : vector<16xf32>
        %add3A_863 = arith.constant 0 : i32
        %add3A_864 = arith.addi %add3A_800, %add3A_863 : i32
        %get3A_865 = arith.constant 6 : i32
        %get3A_866 = arith.index_cast %get3A_865 : i32 to index
        %get3A_867 = arith.index_cast %add3A_864 : i32 to index
        %get3A_868 = arith.constant 112 : index
        %get3A_869 = tpu.vector_load %arg6[%get3A_866, %get3A_867, %get3A_868] {strides = array<i32>} : memref<8x50x128xf32, #tpu.memory_space<vmem>>, vector<1x1x16xf32>,
        %get3A_870 = vector.shape_cast %get3A_869 : vector<1x1x16xf32> to vector<16xf32>
        %add3A_871 = arith.addf %scan3A_796, %get3A_870 : vector<16xf32>
        scf.yield %add3A_808, %add3A_817, %add3A_826, %add3A_835, %add3A_844, %add3A_853, %add3A_862, %add3A_871 : vector<16xf32>, vector<16xf32>, vector<16xf32>, vector<16xf32>, vector<16xf32>, vector<16xf32>, vector<16xf32>, vector<16xf32>
      }
      %scan3A_652 = arith.constant 50 : i32
      %mul3A_653 = arith.constant 1 : i32
      %mul3A_654 = arith.muli %add3A_619, %mul3A_653 : i32
      %add3A_655 = arith.constant 0 : i32
      %add3A_656 = arith.addi %mul3A_654, %add3A_655 : i32
      %swap3A_657 = arith.index_cast %add3A_656 : i32 to index
      %swap3A_658 = arith.constant 0 : index
      %swap3A_659 = tpu.vector_load %arg7[%swap3A_657, %swap3A_658] {strides = array<i32>} : memref<128x128xf32, #tpu.memory_space<vmem>>, vector<1x16xf32>,
      %swap3A_660 = vector.shape_cast %swap3A_659 : vector<1x16xf32> to vector<16xf32>
      %swap3A_661 = vector.shape_cast %scan3A_651#0 : vector<16xf32> to vector<1x16xf32>
      tpu.vector_store %arg7[%swap3A_657, %swap3A_658], %swap3A_661 {strides = array<i32>} : memref<128x128xf32, #tpu.memory_space<vmem>>, vector<1x16xf32>,
      %swap3A_662 = arith.index_cast %add3A_656 : i32 to index
      %swap3A_663 = arith.constant 16 : index
      %swap3A_664 = tpu.vector_load %arg7[%swap3A_662, %swap3A_663] {strides = array<i32>} : memref<128x128xf32, #tpu.memory_space<vmem>>, vector<1x16xf32>,
      %swap3A_665 = vector.shape_cast %swap3A_664 : vector<1x16xf32> to vector<16xf32>
      %swap3A_666 = vector.shape_cast %scan3A_651#1 : vector<16xf32> to vector<1x16xf32>
      tpu.vector_store %arg7[%swap3A_662, %swap3A_663], %swap3A_666 {strides = array<i32>} : memref<128x128xf32, #tpu.memory_space<vmem>>, vector<1x16xf32>,
      %swap3A_667 = arith.index_cast %add3A_656 : i32 to index
      %swap3A_668 = arith.constant 32 : index
      %swap3A_669 = tpu.vector_load %arg7[%swap3A_667, %swap3A_668] {strides = array<i32>} : memref<128x128xf32, #tpu.memory_space<vmem>>, vector<1x16xf32>,
      %swap3A_670 = vector.shape_cast %swap3A_669 : vector<1x16xf32> to vector<16xf32>
      %swap3A_671 = vector.shape_cast %scan3A_651#2 : vector<16xf32> to vector<1x16xf32>
      tpu.vector_store %arg7[%swap3A_667, %swap3A_668], %swap3A_671 {strides = array<i32>} : memref<128x128xf32, #tpu.memory_space<vmem>>, vector<1x16xf32>,
      %swap3A_672 = arith.index_cast %add3A_656 : i32 to index
      %swap3A_673 = arith.constant 48 : index
      %swap3A_674 = tpu.vector_load %arg7[%swap3A_672, %swap3A_673] {strides = array<i32>} : memref<128x128xf32, #tpu.memory_space<vmem>>, vector<1x16xf32>,
      %swap3A_675 = vector.shape_cast %swap3A_674 : vector<1x16xf32> to vector<16xf32>
      %swap3A_676 = vector.shape_cast %scan3A_651#3 : vector<16xf32> to vector<1x16xf32>
      tpu.vector_store %arg7[%swap3A_672, %swap3A_673], %swap3A_676 {strides = array<i32>} : memref<128x128xf32, #tpu.memory_space<vmem>>, vector<1x16xf32>,
      %swap3A_677 = arith.index_cast %add3A_656 : i32 to index
      %swap3A_678 = arith.constant 64 : index
      %swap3A_679 = tpu.vector_load %arg7[%swap3A_677, %swap3A_678] {strides = array<i32>} : memref<128x128xf32, #tpu.memory_space<vmem>>, vector<1x16xf32>,
      %swap3A_680 = vector.shape_cast %swap3A_679 : vector<1x16xf32> to vector<16xf32>
      %swap3A_681 = vector.shape_cast %scan3A_651#4 : vector<16xf32> to vector<1x16xf32>
      tpu.vector_store %arg7[%swap3A_677, %swap3A_678], %swap3A_681 {strides = array<i32>} : memref<128x128xf32, #tpu.memory_space<vmem>>, vector<1x16xf32>,
      %swap3A_682 = arith.index_cast %add3A_656 : i32 to index
      %swap3A_683 = arith.constant 80 : index
      %swap3A_684 = tpu.vector_load %arg7[%swap3A_682, %swap3A_683] {strides = array<i32>} : memref<128x128xf32, #tpu.memory_space<vmem>>, vector<1x16xf32>,
      %swap3A_685 = vector.shape_cast %swap3A_684 : vector<1x16xf32> to vector<16xf32>
      %swap3A_686 = vector.shape_cast %scan3A_651#5 : vector<16xf32> to vector<1x16xf32>
      tpu.vector_store %arg7[%swap3A_682, %swap3A_683], %swap3A_686 {strides = array<i32>} : memref<128x128xf32, #tpu.memory_space<vmem>>, vector<1x16xf32>,
      %swap3A_687 = arith.index_cast %add3A_656 : i32 to index
      %swap3A_688 = arith.constant 96 : index
      %swap3A_689 = tpu.vector_load %arg7[%swap3A_687, %swap3A_688] {strides = array<i32>} : memref<128x128xf32, #tpu.memory_space<vmem>>, vector<1x16xf32>,
      %swap3A_690 = vector.shape_cast %swap3A_689 : vector<1x16xf32> to vector<16xf32>
      %swap3A_691 = vector.shape_cast %scan3A_651#6 : vector<16xf32> to vector<1x16xf32>
      tpu.vector_store %arg7[%swap3A_687, %swap3A_688], %swap3A_691 {strides = array<i32>} : memref<128x128xf32, #tpu.memory_space<vmem>>, vector<1x16xf32>,
      %swap3A_692 = arith.index_cast %add3A_656 : i32 to index
      %swap3A_693 = arith.constant 112 : index
      %swap3A_694 = tpu.vector_load %arg7[%swap3A_692, %swap3A_693] {strides = array<i32>} : memref<128x128xf32, #tpu.memory_space<vmem>>, vector<1x16xf32>,
      %swap3A_695 = vector.shape_cast %swap3A_694 : vector<1x16xf32> to vector<16xf32>
      %swap3A_696 = vector.shape_cast %scan3A_651#7 : vector<16xf32> to vector<1x16xf32>
      tpu.vector_store %arg7[%swap3A_692, %swap3A_693], %swap3A_696 {strides = array<i32>} : memref<128x128xf32, #tpu.memory_space<vmem>>, vector<1x16xf32>,
      %lt3A_697 = arith.constant 15 : i32
      %lt3A_698 = arith.cmpi slt, %scan3A_105, %lt3A_697 : i32
      %convert_element_type3A_699 = arith.extui %lt3A_698 : i1 to i32
      %cond3A_700 = arith.constant 0 : i32
      %cond3A_701 = arith.cmpi ne, %convert_element_type3A_699, %cond3A_700 : i32
      scf.if %cond3A_701 {
        %add3A_788 = arith.constant 8 : i32
        %add3A_789 = arith.addi %add3A_619, %add3A_788 : i32
        %dma_start3A_790 = arith.constant 6 : i32
        %dma_start3A_791 = arith.constant 0 : i32
        %dma_start3A_792 = arith.constant 0 : i32
        %dma_start3A_793 = tpu.memref_slice %arg6[%dma_start3A_790, %dma_start3A_791, %dma_start3A_792] : memref<8x50x128xf32, #tpu.memory_space<vmem>> -> memref<1x50x128xf32, #tpu.memory_space<vmem>>
        %dma_start3A_794 = tpu.memref_squeeze %dma_start3A_793 : memref<1x50x128xf32, #tpu.memory_space<vmem>> -> memref<50x128xf32, #tpu.memory_space<vmem>>
        %dma_start3A_795 = arith.constant 0 : i32
        %dma_start3A_796 = tpu.memref_slice %arg5[%add3A_789, %dma_start3A_795] : memref<128x50xi32, #tpu.memory_space<vmem>> -> memref<1x50xi32, #tpu.memory_space<vmem>>
        %dma_start3A_797 = tpu.memref_squeeze %dma_start3A_796 : memref<1x50xi32, #tpu.memory_space<vmem>> -> memref<50xi32, #tpu.memory_space<vmem>>
        %dma_start3A_798 = arith.constant 0 : i32
        %dma_start3A_799 = arith.constant 0 : i32
        %dma_start3A_800 = tpu.memref_slice %arg3[%dma_start3A_798, %dma_start3A_799] : memref<101000x128xf32, #tpu.memory_space<hbm>> -> memref<101000x128xf32, #tpu.memory_space<hbm>>
        tpu.enqueue_indirect_dma source(%dma_start3A_800 : memref<101000x128xf32, #tpu.memory_space<hbm>>) target(%dma_start3A_794 : memref<50x128xf32, #tpu.memory_space<vmem>>) offsets(%dma_start3A_797 : memref<50xi32, #tpu.memory_space<vmem>>) semaphore(%arg14 : memref<!tpu.dma_semaphore, #tpu.memory_space<semaphore_mem>>)
      } else {
      }
      %mul3A_702 = arith.constant 8 : i32
      %mul3A_703 = arith.muli %mul3A_702, %scan3A_105 : i32
      %add3A_704 = arith.constant 7 : i32
      %add3A_705 = arith.addi %mul3A_703, %add3A_704 : i32
      %dma_wait3A_706 = arith.constant 7 : i32
      %dma_wait3A_707 = arith.constant 0 : i32
      %dma_wait3A_708 = arith.constant 0 : i32
      %dma_wait3A_709 = tpu.memref_slice %arg6[%dma_wait3A_706, %dma_wait3A_707, %dma_wait3A_708] : memref<8x50x128xf32, #tpu.memory_space<vmem>> -> memref<1x50x128xf32, #tpu.memory_space<vmem>>
      %dma_wait3A_710 = tpu.memref_squeeze %dma_wait3A_709 : memref<1x50x128xf32, #tpu.memory_space<vmem>> -> memref<50x128xf32, #tpu.memory_space<vmem>>
      %dma_wait3A_711 = arith.constant 0 : i32
      %dma_wait3A_712 = tpu.memref_slice %arg5[%add3A_705, %dma_wait3A_711] : memref<128x50xi32, #tpu.memory_space<vmem>> -> memref<1x50xi32, #tpu.memory_space<vmem>>
      %dma_wait3A_713 = tpu.memref_squeeze %dma_wait3A_712 : memref<1x50xi32, #tpu.memory_space<vmem>> -> memref<50xi32, #tpu.memory_space<vmem>>
      %dma_wait3A_714 = arith.constant 0 : i32
      %dma_wait3A_715 = arith.constant 0 : i32
      %dma_wait3A_716 = tpu.memref_slice %arg3[%dma_wait3A_714, %dma_wait3A_715] : memref<101000x128xf32, #tpu.memory_space<hbm>> -> memref<101000x128xf32, #tpu.memory_space<hbm>>
      tpu.wait_indirect_dma semaphore(%arg15 : memref<!tpu.dma_semaphore, #tpu.memory_space<semaphore_mem>>) src(%dma_wait3A_716 : memref<101000x128xf32, #tpu.memory_space<hbm>>) dst(%dma_wait3A_710 : memref<50x128xf32, #tpu.memory_space<vmem>>)
      %broadcast_in_dim3A_717 = arith.constant 0.000000e+00 : f32
      %broadcast_in_dim3A_718 = vector.broadcast %broadcast_in_dim3A_717 : f32 to vector<16xf32>
      %broadcast_in_dim3A_719 = arith.constant 0.000000e+00 : f32
      %broadcast_in_dim3A_720 = vector.broadcast %broadcast_in_dim3A_719 : f32 to vector<16xf32>
      %broadcast_in_dim3A_721 = arith.constant 0.000000e+00 : f32
      %broadcast_in_dim3A_722 = vector.broadcast %broadcast_in_dim3A_721 : f32 to vector<16xf32>
      %broadcast_in_dim3A_723 = arith.constant 0.000000e+00 : f32
      %broadcast_in_dim3A_724 = vector.broadcast %broadcast_in_dim3A_723 : f32 to vector<16xf32>
      %broadcast_in_dim3A_725 = arith.constant 0.000000e+00 : f32
      %broadcast_in_dim3A_726 = vector.broadcast %broadcast_in_dim3A_725 : f32 to vector<16xf32>
      %broadcast_in_dim3A_727 = arith.constant 0.000000e+00 : f32
      %broadcast_in_dim3A_728 = vector.broadcast %broadcast_in_dim3A_727 : f32 to vector<16xf32>
      %broadcast_in_dim3A_729 = arith.constant 0.000000e+00 : f32
      %broadcast_in_dim3A_730 = vector.broadcast %broadcast_in_dim3A_729 : f32 to vector<16xf32>
      %broadcast_in_dim3A_731 = arith.constant 0.000000e+00 : f32
      %broadcast_in_dim3A_732 = vector.broadcast %broadcast_in_dim3A_731 : f32 to vector<16xf32>
      %scan3A_733 = arith.constant 0 : i32
      %scan3A_734 = arith.constant 50 : i32
      %scan3A_735 = arith.addi %scan3A_733, %scan3A_734 : i32
      %scan3A_736 = arith.constant 1 : i32
      %scan3A_737:8 = scf.for %scan3A_788 = %scan3A_733 to %scan3A_735 step %scan3A_736 iter_args(%scan3A_789 = %broadcast_in_dim3A_718, %scan3A_790 = %broadcast_in_dim3A_720, %scan3A_791 = %broadcast_in_dim3A_722, %scan3A_792 = %broadcast_in_dim3A_724, %scan3A_793 = %broadcast_in_dim3A_726, %scan3A_794 = %broadcast_in_dim3A_728, %scan3A_795 = %broadcast_in_dim3A_730, %scan3A_796 = %broadcast_in_dim3A_732) -> (vector<16xf32>, vector<16xf32>, vector<16xf32>, vector<16xf32>, vector<16xf32>, vector<16xf32>, vector<16xf32>, vector<16xf32>)  : i32 {
        %mul3A_797 = arith.constant 1 : i32
        %mul3A_798 = arith.muli %scan3A_788, %mul3A_797 : i32
        %add3A_799 = arith.constant 0 : i32
        %add3A_800 = arith.addi %add3A_799, %mul3A_798 : i32
        %add3A_801 = arith.constant 0 : i32
        %add3A_802 = arith.addi %add3A_800, %add3A_801 : i32
        %get3A = arith.constant 7 : i32
        %get3A_803 = arith.index_cast %get3A : i32 to index
        %get3A_804 = arith.index_cast %add3A_802 : i32 to index
        %get3A_805 = arith.constant 0 : index
        %get3A_806 = tpu.vector_load %arg6[%get3A_803, %get3A_804, %get3A_805] {strides = array<i32>} : memref<8x50x128xf32, #tpu.memory_space<vmem>>, vector<1x1x16xf32>,
        %get3A_807 = vector.shape_cast %get3A_806 : vector<1x1x16xf32> to vector<16xf32>
        %add3A_808 = arith.addf %scan3A_789, %get3A_807 : vector<16xf32>
        %add3A_809 = arith.constant 0 : i32
        %add3A_810 = arith.addi %add3A_800, %add3A_809 : i32
        %get3A_811 = arith.constant 7 : i32
        %get3A_812 = arith.index_cast %get3A_811 : i32 to index
        %get3A_813 = arith.index_cast %add3A_810 : i32 to index
        %get3A_814 = arith.constant 16 : index
        %get3A_815 = tpu.vector_load %arg6[%get3A_812, %get3A_813, %get3A_814] {strides = array<i32>} : memref<8x50x128xf32, #tpu.memory_space<vmem>>, vector<1x1x16xf32>,
        %get3A_816 = vector.shape_cast %get3A_815 : vector<1x1x16xf32> to vector<16xf32>
        %add3A_817 = arith.addf %scan3A_790, %get3A_816 : vector<16xf32>
        %add3A_818 = arith.constant 0 : i32
        %add3A_819 = arith.addi %add3A_800, %add3A_818 : i32
        %get3A_820 = arith.constant 7 : i32
        %get3A_821 = arith.index_cast %get3A_820 : i32 to index
        %get3A_822 = arith.index_cast %add3A_819 : i32 to index
        %get3A_823 = arith.constant 32 : index
        %get3A_824 = tpu.vector_load %arg6[%get3A_821, %get3A_822, %get3A_823] {strides = array<i32>} : memref<8x50x128xf32, #tpu.memory_space<vmem>>, vector<1x1x16xf32>,
        %get3A_825 = vector.shape_cast %get3A_824 : vector<1x1x16xf32> to vector<16xf32>
        %add3A_826 = arith.addf %scan3A_791, %get3A_825 : vector<16xf32>
        %add3A_827 = arith.constant 0 : i32
        %add3A_828 = arith.addi %add3A_800, %add3A_827 : i32
        %get3A_829 = arith.constant 7 : i32
        %get3A_830 = arith.index_cast %get3A_829 : i32 to index
        %get3A_831 = arith.index_cast %add3A_828 : i32 to index
        %get3A_832 = arith.constant 48 : index
        %get3A_833 = tpu.vector_load %arg6[%get3A_830, %get3A_831, %get3A_832] {strides = array<i32>} : memref<8x50x128xf32, #tpu.memory_space<vmem>>, vector<1x1x16xf32>,
        %get3A_834 = vector.shape_cast %get3A_833 : vector<1x1x16xf32> to vector<16xf32>
        %add3A_835 = arith.addf %scan3A_792, %get3A_834 : vector<16xf32>
        %add3A_836 = arith.constant 0 : i32
        %add3A_837 = arith.addi %add3A_800, %add3A_836 : i32
        %get3A_838 = arith.constant 7 : i32
        %get3A_839 = arith.index_cast %get3A_838 : i32 to index
        %get3A_840 = arith.index_cast %add3A_837 : i32 to index
        %get3A_841 = arith.constant 64 : index
        %get3A_842 = tpu.vector_load %arg6[%get3A_839, %get3A_840, %get3A_841] {strides = array<i32>} : memref<8x50x128xf32, #tpu.memory_space<vmem>>, vector<1x1x16xf32>,
        %get3A_843 = vector.shape_cast %get3A_842 : vector<1x1x16xf32> to vector<16xf32>
        %add3A_844 = arith.addf %scan3A_793, %get3A_843 : vector<16xf32>
        %add3A_845 = arith.constant 0 : i32
        %add3A_846 = arith.addi %add3A_800, %add3A_845 : i32
        %get3A_847 = arith.constant 7 : i32
        %get3A_848 = arith.index_cast %get3A_847 : i32 to index
        %get3A_849 = arith.index_cast %add3A_846 : i32 to index
        %get3A_850 = arith.constant 80 : index
        %get3A_851 = tpu.vector_load %arg6[%get3A_848, %get3A_849, %get3A_850] {strides = array<i32>} : memref<8x50x128xf32, #tpu.memory_space<vmem>>, vector<1x1x16xf32>,
        %get3A_852 = vector.shape_cast %get3A_851 : vector<1x1x16xf32> to vector<16xf32>
        %add3A_853 = arith.addf %scan3A_794, %get3A_852 : vector<16xf32>
        %add3A_854 = arith.constant 0 : i32
        %add3A_855 = arith.addi %add3A_800, %add3A_854 : i32
        %get3A_856 = arith.constant 7 : i32
        %get3A_857 = arith.index_cast %get3A_856 : i32 to index
        %get3A_858 = arith.index_cast %add3A_855 : i32 to index
        %get3A_859 = arith.constant 96 : index
        %get3A_860 = tpu.vector_load %arg6[%get3A_857, %get3A_858, %get3A_859] {strides = array<i32>} : memref<8x50x128xf32, #tpu.memory_space<vmem>>, vector<1x1x16xf32>,
        %get3A_861 = vector.shape_cast %get3A_860 : vector<1x1x16xf32> to vector<16xf32>
        %add3A_862 = arith.addf %scan3A_795, %get3A_861 : vector<16xf32>
        %add3A_863 = arith.constant 0 : i32
        %add3A_864 = arith.addi %add3A_800, %add3A_863 : i32
        %get3A_865 = arith.constant 7 : i32
        %get3A_866 = arith.index_cast %get3A_865 : i32 to index
        %get3A_867 = arith.index_cast %add3A_864 : i32 to index
        %get3A_868 = arith.constant 112 : index
        %get3A_869 = tpu.vector_load %arg6[%get3A_866, %get3A_867, %get3A_868] {strides = array<i32>} : memref<8x50x128xf32, #tpu.memory_space<vmem>>, vector<1x1x16xf32>,
        %get3A_870 = vector.shape_cast %get3A_869 : vector<1x1x16xf32> to vector<16xf32>
        %add3A_871 = arith.addf %scan3A_796, %get3A_870 : vector<16xf32>
        scf.yield %add3A_808, %add3A_817, %add3A_826, %add3A_835, %add3A_844, %add3A_853, %add3A_862, %add3A_871 : vector<16xf32>, vector<16xf32>, vector<16xf32>, vector<16xf32>, vector<16xf32>, vector<16xf32>, vector<16xf32>, vector<16xf32>
      }
      %scan3A_738 = arith.constant 50 : i32
      %mul3A_739 = arith.constant 1 : i32
      %mul3A_740 = arith.muli %add3A_705, %mul3A_739 : i32
      %add3A_741 = arith.constant 0 : i32
      %add3A_742 = arith.addi %mul3A_740, %add3A_741 : i32
      %swap3A_743 = arith.index_cast %add3A_742 : i32 to index
      %swap3A_744 = arith.constant 0 : index
      %swap3A_745 = tpu.vector_load %arg7[%swap3A_743, %swap3A_744] {strides = array<i32>} : memref<128x128xf32, #tpu.memory_space<vmem>>, vector<1x16xf32>,
      %swap3A_746 = vector.shape_cast %swap3A_745 : vector<1x16xf32> to vector<16xf32>
      %swap3A_747 = vector.shape_cast %scan3A_737#0 : vector<16xf32> to vector<1x16xf32>
      tpu.vector_store %arg7[%swap3A_743, %swap3A_744], %swap3A_747 {strides = array<i32>} : memref<128x128xf32, #tpu.memory_space<vmem>>, vector<1x16xf32>,
      %swap3A_748 = arith.index_cast %add3A_742 : i32 to index
      %swap3A_749 = arith.constant 16 : index
      %swap3A_750 = tpu.vector_load %arg7[%swap3A_748, %swap3A_749] {strides = array<i32>} : memref<128x128xf32, #tpu.memory_space<vmem>>, vector<1x16xf32>,
      %swap3A_751 = vector.shape_cast %swap3A_750 : vector<1x16xf32> to vector<16xf32>
      %swap3A_752 = vector.shape_cast %scan3A_737#1 : vector<16xf32> to vector<1x16xf32>
      tpu.vector_store %arg7[%swap3A_748, %swap3A_749], %swap3A_752 {strides = array<i32>} : memref<128x128xf32, #tpu.memory_space<vmem>>, vector<1x16xf32>,
      %swap3A_753 = arith.index_cast %add3A_742 : i32 to index
      %swap3A_754 = arith.constant 32 : index
      %swap3A_755 = tpu.vector_load %arg7[%swap3A_753, %swap3A_754] {strides = array<i32>} : memref<128x128xf32, #tpu.memory_space<vmem>>, vector<1x16xf32>,
      %swap3A_756 = vector.shape_cast %swap3A_755 : vector<1x16xf32> to vector<16xf32>
      %swap3A_757 = vector.shape_cast %scan3A_737#2 : vector<16xf32> to vector<1x16xf32>
      tpu.vector_store %arg7[%swap3A_753, %swap3A_754], %swap3A_757 {strides = array<i32>} : memref<128x128xf32, #tpu.memory_space<vmem>>, vector<1x16xf32>,
      %swap3A_758 = arith.index_cast %add3A_742 : i32 to index
      %swap3A_759 = arith.constant 48 : index
      %swap3A_760 = tpu.vector_load %arg7[%swap3A_758, %swap3A_759] {strides = array<i32>} : memref<128x128xf32, #tpu.memory_space<vmem>>, vector<1x16xf32>,
      %swap3A_761 = vector.shape_cast %swap3A_760 : vector<1x16xf32> to vector<16xf32>
      %swap3A_762 = vector.shape_cast %scan3A_737#3 : vector<16xf32> to vector<1x16xf32>
      tpu.vector_store %arg7[%swap3A_758, %swap3A_759], %swap3A_762 {strides = array<i32>} : memref<128x128xf32, #tpu.memory_space<vmem>>, vector<1x16xf32>,
      %swap3A_763 = arith.index_cast %add3A_742 : i32 to index
      %swap3A_764 = arith.constant 64 : index
      %swap3A_765 = tpu.vector_load %arg7[%swap3A_763, %swap3A_764] {strides = array<i32>} : memref<128x128xf32, #tpu.memory_space<vmem>>, vector<1x16xf32>,
      %swap3A_766 = vector.shape_cast %swap3A_765 : vector<1x16xf32> to vector<16xf32>
      %swap3A_767 = vector.shape_cast %scan3A_737#4 : vector<16xf32> to vector<1x16xf32>
      tpu.vector_store %arg7[%swap3A_763, %swap3A_764], %swap3A_767 {strides = array<i32>} : memref<128x128xf32, #tpu.memory_space<vmem>>, vector<1x16xf32>,
      %swap3A_768 = arith.index_cast %add3A_742 : i32 to index
      %swap3A_769 = arith.constant 80 : index
      %swap3A_770 = tpu.vector_load %arg7[%swap3A_768, %swap3A_769] {strides = array<i32>} : memref<128x128xf32, #tpu.memory_space<vmem>>, vector<1x16xf32>,
      %swap3A_771 = vector.shape_cast %swap3A_770 : vector<1x16xf32> to vector<16xf32>
      %swap3A_772 = vector.shape_cast %scan3A_737#5 : vector<16xf32> to vector<1x16xf32>
      tpu.vector_store %arg7[%swap3A_768, %swap3A_769], %swap3A_772 {strides = array<i32>} : memref<128x128xf32, #tpu.memory_space<vmem>>, vector<1x16xf32>,
      %swap3A_773 = arith.index_cast %add3A_742 : i32 to index
      %swap3A_774 = arith.constant 96 : index
      %swap3A_775 = tpu.vector_load %arg7[%swap3A_773, %swap3A_774] {strides = array<i32>} : memref<128x128xf32, #tpu.memory_space<vmem>>, vector<1x16xf32>,
      %swap3A_776 = vector.shape_cast %swap3A_775 : vector<1x16xf32> to vector<16xf32>
      %swap3A_777 = vector.shape_cast %scan3A_737#6 : vector<16xf32> to vector<1x16xf32>
      tpu.vector_store %arg7[%swap3A_773, %swap3A_774], %swap3A_777 {strides = array<i32>} : memref<128x128xf32, #tpu.memory_space<vmem>>, vector<1x16xf32>,
      %swap3A_778 = arith.index_cast %add3A_742 : i32 to index
      %swap3A_779 = arith.constant 112 : index
      %swap3A_780 = tpu.vector_load %arg7[%swap3A_778, %swap3A_779] {strides = array<i32>} : memref<128x128xf32, #tpu.memory_space<vmem>>, vector<1x16xf32>,
      %swap3A_781 = vector.shape_cast %swap3A_780 : vector<1x16xf32> to vector<16xf32>
      %swap3A_782 = vector.shape_cast %scan3A_737#7 : vector<16xf32> to vector<1x16xf32>
      tpu.vector_store %arg7[%swap3A_778, %swap3A_779], %swap3A_782 {strides = array<i32>} : memref<128x128xf32, #tpu.memory_space<vmem>>, vector<1x16xf32>,
      %lt3A_783 = arith.constant 15 : i32
      %lt3A_784 = arith.cmpi slt, %scan3A_105, %lt3A_783 : i32
      %convert_element_type3A_785 = arith.extui %lt3A_784 : i1 to i32
      %cond3A_786 = arith.constant 0 : i32
      %cond3A_787 = arith.cmpi ne, %convert_element_type3A_785, %cond3A_786 : i32
      scf.if %cond3A_787 {
        %add3A_788 = arith.constant 8 : i32
        %add3A_789 = arith.addi %add3A_705, %add3A_788 : i32
        %dma_start3A_790 = arith.constant 7 : i32
        %dma_start3A_791 = arith.constant 0 : i32
        %dma_start3A_792 = arith.constant 0 : i32
        %dma_start3A_793 = tpu.memref_slice %arg6[%dma_start3A_790, %dma_start3A_791, %dma_start3A_792] : memref<8x50x128xf32, #tpu.memory_space<vmem>> -> memref<1x50x128xf32, #tpu.memory_space<vmem>>
        %dma_start3A_794 = tpu.memref_squeeze %dma_start3A_793 : memref<1x50x128xf32, #tpu.memory_space<vmem>> -> memref<50x128xf32, #tpu.memory_space<vmem>>
        %dma_start3A_795 = arith.constant 0 : i32
        %dma_start3A_796 = tpu.memref_slice %arg5[%add3A_789, %dma_start3A_795] : memref<128x50xi32, #tpu.memory_space<vmem>> -> memref<1x50xi32, #tpu.memory_space<vmem>>
        %dma_start3A_797 = tpu.memref_squeeze %dma_start3A_796 : memref<1x50xi32, #tpu.memory_space<vmem>> -> memref<50xi32, #tpu.memory_space<vmem>>
        %dma_start3A_798 = arith.constant 0 : i32
        %dma_start3A_799 = arith.constant 0 : i32
        %dma_start3A_800 = tpu.memref_slice %arg3[%dma_start3A_798, %dma_start3A_799] : memref<101000x128xf32, #tpu.memory_space<hbm>> -> memref<101000x128xf32, #tpu.memory_space<hbm>>
        tpu.enqueue_indirect_dma source(%dma_start3A_800 : memref<101000x128xf32, #tpu.memory_space<hbm>>) target(%dma_start3A_794 : memref<50x128xf32, #tpu.memory_space<vmem>>) offsets(%dma_start3A_797 : memref<50xi32, #tpu.memory_space<vmem>>) semaphore(%arg15 : memref<!tpu.dma_semaphore, #tpu.memory_space<semaphore_mem>>)
      } else {
      }
    }
    %scan3A_102 = arith.constant 16 : i32
    %mul3A_103 = arith.constant 128 : i32
    %mul3A_104 = arith.muli %add3A, %mul3A_103 : i32
    "tpu.region"() ({
      %run_scoped3A = tpu.sem_alloc : memref<!tpu.dma_semaphore, #tpu.memory_space<semaphore_mem>>
      %dma_start3A_105 = arith.constant 0 : i32
      %dma_start3A_106 = tpu.memref_slice %arg4[%mul3A_104, %dma_start3A_105] : memref<4096x128xf32, #tpu.memory_space<hbm>> -> memref<128x128xf32, #tpu.memory_space<hbm>>
      %dma_start3A_107 = arith.constant 0 : i32
      %dma_start3A_108 = tpu.memref_slice %arg4[%mul3A_104, %dma_start3A_107] : memref<4096x128xf32, #tpu.memory_space<hbm>> -> memref<128x128xf32, #tpu.memory_space<hbm>>
      tpu.enqueue_dma source(%arg7 : memref<128x128xf32, #tpu.memory_space<vmem>>) target(%dma_start3A_108 : memref<128x128xf32, #tpu.memory_space<hbm>>) target_semaphore(%run_scoped3A : memref<!tpu.dma_semaphore, #tpu.memory_space<semaphore_mem>>)
      %dma_wait3A = arith.constant 0 : i32
      %dma_wait3A_109 = tpu.memref_slice %arg4[%mul3A_104, %dma_wait3A] : memref<4096x128xf32, #tpu.memory_space<hbm>> -> memref<128x128xf32, #tpu.memory_space<hbm>>
      %dma_wait3A_110 = arith.constant 0 : i32
      %dma_wait3A_111 = tpu.memref_slice %arg4[%mul3A_104, %dma_wait3A_110] : memref<4096x128xf32, #tpu.memory_space<hbm>> -> memref<128x128xf32, #tpu.memory_space<hbm>>
      tpu.wait_dma2 semaphore(%run_scoped3A : memref<!tpu.dma_semaphore, #tpu.memory_space<semaphore_mem>>) src(%arg7 : memref<128x128xf32, #tpu.memory_space<vmem>>) dst(%dma_wait3A_111 : memref<128x128xf32, #tpu.memory_space<hbm>>)
      tpu.yield
    }) : () -> ()
    return
  }
}

module attributes {stable_mosaic.version = 14 : i64} {
  func.func @_tc_finish_kernel(%arg0: i32, %arg1: memref<2048x50xi32, #tpu.memory_space<vmem>>, %arg2: memref<2048x128xf32, #tpu.memory_space<vmem>>, %arg3: memref<128x128xf32, #tpu.memory_space<vmem>>, %arg4: memref<1x128xf32, #tpu.memory_space<vmem>>, %arg5: memref<2048x128xf32, #tpu.memory_space<vmem>>) attributes {dimension_semantics = [#tpu.dimension_semantics<arbitrary>], iteration_bounds = array<i64: 2>, scalar_prefetch = 0 : i64, scratch_operands = 0 : i64, tpu.core_type = #tpu.core_type<tc>, window_params = [{transform_indices = @transform_0, window_bounds = array<i64: 2048, 50>}, {transform_indices = @transform_1, window_bounds = array<i64: 2048, 128>}, {pipeline_mode = #tpu.pipeline_mode<synchronous>, transform_indices = @transform_2, window_bounds = array<i64: 128, 128>}, {pipeline_mode = #tpu.pipeline_mode<synchronous>, transform_indices = @transform_3, window_bounds = array<i64: 1, 128>}, {transform_indices = @transform_4, window_bounds = array<i64: 2048, 128>}]} {
    %get3A = arith.constant 0 : index
    %get3A_0 = arith.constant 0 : index
    %get3A_1 = vector.load %arg1[%get3A, %get3A_0] : memref<2048x50xi32, #tpu.memory_space<vmem>>, vector<2048x50xi32>
    %ne3A = arith.constant 0 : i32
    %ne3A_2 = vector.broadcast %ne3A : i32 to vector<2048x50xi32>
    %ne3A_3 = arith.cmpi ne, %get3A_1, %ne3A_2 : vector<2048x50xi32>
    %convert_element_type3A = arith.extui %ne3A_3 : vector<2048x50xi1> to vector<2048x50xi32>
    %convert_element_type3A_4 = arith.sitofp %convert_element_type3A : vector<2048x50xi32> to vector<2048x50xf32>
    %reduce_sum3A = arith.constant dense<0.000000e+00> : vector<2048xf32>
    %reduce_sum3A_5 = vector.multi_reduction <add>, %convert_element_type3A_4, %reduce_sum3A [1] : vector<2048x50xf32> to vector<2048xf32>
    %broadcast_in_dim3A = vector.shape_cast %reduce_sum3A_5 : vector<2048xf32> to vector<2048x1xf32>
    %get3A_6 = arith.constant 0 : index
    %get3A_7 = arith.constant 0 : index
    %get3A_8 = vector.load %arg2[%get3A_6, %get3A_7] : memref<2048x128xf32, #tpu.memory_space<vmem>>, vector<2048x128xf32>
    %add3A = arith.constant 9.99999993E-9 : f32
    %add3A_9 = vector.broadcast %add3A : f32 to vector<2048x1xf32>
    %add3A_10 = arith.addf %broadcast_in_dim3A, %add3A_9 : vector<2048x1xf32>
    %div3A = vector.broadcast %add3A_10 : vector<2048x1xf32> to vector<2048x128xf32>
    %div3A_11 = arith.divf %get3A_8, %div3A : vector<2048x128xf32>
    %get3A_12 = arith.constant 0 : index
    %get3A_13 = arith.constant 0 : index
    %get3A_14 = vector.load %arg3[%get3A_12, %get3A_13] : memref<128x128xf32, #tpu.memory_space<vmem>>, vector<128x128xf32>
    %dot_general3A = arith.constant dense<0.000000e+00> : vector<2048x128xf32>
    %dot_general3A_15 = tpu.matmul %div3A_11, %get3A_14, %dot_general3A {dimension_numbers = #tpu.dot_dimension_numbers<[1], [1], [0], [0], [0, 0, 1, 0], [], []>, transpose_lhs_hint = false} : vector<2048x128xf32>, vector<128x128xf32>, vector<2048x128xf32> -> vector<2048x128xf32>
    %get3A_16 = arith.constant 0 : index
    %get3A_17 = arith.constant 0 : index
    %get3A_18 = vector.load %arg4[%get3A_16, %get3A_17] : memref<1x128xf32, #tpu.memory_space<vmem>>, vector<1x128xf32>
    %add3A_19 = vector.broadcast %get3A_18 : vector<1x128xf32> to vector<2048x128xf32>
    %add3A_20 = arith.addf %dot_general3A_15, %add3A_19 : vector<2048x128xf32>
    %max3A = arith.constant 0.000000e+00 : f32
    %max3A_21 = vector.broadcast %max3A : f32 to vector<2048x128xf32>
    %max3A_22 = arith.maximumf %add3A_20, %max3A_21 : vector<2048x128xf32>
    %swap3A = arith.constant 0 : index
    %swap3A_23 = arith.constant 0 : index
    %swap3A_24 = vector.load %arg5[%swap3A, %swap3A_23] : memref<2048x128xf32, #tpu.memory_space<vmem>>, vector<2048x128xf32>
    tpu.vector_store %arg5[%swap3A, %swap3A_23], %max3A_22 {strides = array<i32>} : memref<2048x128xf32, #tpu.memory_space<vmem>>, vector<2048x128xf32>,
    return
  }
  func.func @transform_0(%arg0: i32) -> (i32, i32) {
    %c0_i32 = arith.constant 0 : i32
    %c0_i32_0 = arith.constant 0 : i32
    return %arg0, %c0_i32 : i32, i32
  }
  func.func @transform_1(%arg0: i32) -> (i32, i32) {
    %c0_i32 = arith.constant 0 : i32
    %c0_i32_0 = arith.constant 0 : i32
    return %arg0, %c0_i32 : i32, i32
  }
  func.func @transform_2(%arg0: i32) -> (i32, i32) {
    %c0_i32 = arith.constant 0 : i32
    %c0_i32_0 = arith.constant 0 : i32
    %c0_i32_1 = arith.constant 0 : i32
    return %c0_i32, %c0_i32_0 : i32, i32
  }
  func.func @transform_3(%arg0: i32) -> (i32, i32) {
    %c0_i32 = arith.constant 0 : i32
    %c0_i32_0 = arith.constant 0 : i32
    %c0_i32_1 = arith.constant 0 : i32
    return %c0_i32, %c0_i32_0 : i32, i32
  }
  func.func @transform_4(%arg0: i32) -> (i32, i32) {
    %c0_i32 = arith.constant 0 : i32
    %c0_i32_0 = arith.constant 0 : i32
    return %arg0, %c0_i32 : i32, i32
  }
}

</mosaic_0001>

<sc_bundles>
// kernel: kernel.4.cloned.1.call-start
scs
__scs_entry_jumppad:
0x0: {  	(pc) =	sbr.rel $0x88, $3  }
0x1: {  	(tag) =	ssettag $0x0;
	lr =	simm.s32 $0x1  }
0x2: {  	[smem:$0x3F9D] =	sst lr;
	_ =	strace $0xD0000000  }
0x3: {  	_ = 	snop  }
0x4: {  	_ = 	snop  }
0x5: {  	_ = 	snop  }
0x6: {  	_ = 	snop  }
0x7: {  	_ = 	snop  }
__scs_overlays_trampoline_lowered:
0x8: {  	[smem:$0x3FAC] =	sst s0  }
0x9: {  	[smem:$0x3FAD] =	sst s1  }
0xa: {  	[smem:$0x3FAE] =	sst s2  }
0xb: {  	[smem:$0x3FAF] =	sst s3  }
0xc: {  	[smem:$0x3FB0] =	sst s4  }
0xd: {  	[smem:$0x3FB1] =	sst s5  }
0xe: {  	[smem:$0x3FB2] =	sst s6  }
0xf: {  	[smem:$0x3FB3] =	sst s7  }
0x10: {  	[smem:$0x3FB4] =	sst s8  }
0x11: {  	[smem:$0x3FB5] =	sst s9;
	s0 =	simm.s32 @!p0 $0x0  }
0x12: {  	s1 =	sld [smem:$0x3F9B];
	s0 =	simm.s32 @p0 $0x1  }
0x13: {  	[smem:$0x3FB6] =	sst s0;
	s0 =	simm.s32 @!p1 $0x0  }
0x14: {  	s2 =	sld [smem:$0x3F9A];
	s0 =	simm.s32 @p1 $0x1  }
0x15: {  	[smem:$0x3FB7] =	sst s0;
	s0 =	simm.s32 @!p2 $0x0  }
0x16: {  	s3 =	sld [smem:$0x3FDB];
	s0 =	simm.s32 @p2 $0x1  }
0x17: {  	s4 =	simm.s32 $0x1BF5;
	[smem:$0x3FB9] =	sst s0  }
0x18: {  	s0 =	sld [smem:$0x3F9C];
	_ =	swait.ge [sflag:s4], $0x0  }
0x19: {  	s7 =	sld [smem:$0x3F9D]  }
0x1a: {  	s8 =	sadd.s32 $0xFFFFE003, lr  }
0x1b: {  	s9 =	sadd.s32 $0xFFFFFEF7, lr;
	s5 =	simm.s32 $0xFFFFFFFF;
	p2 =	slt.u32 s8, $0xFFFFF086  }
0x1c: {  	p1 =	slt.u32 s9, $0xF7A;
	s5 =	simm.s32 @!p2 $0x0  }
0x1d: {  	s5 =	simm.s32 @p1 $0x1;
	p0 =	seq.s32 s7, s2  }
0x1e: {  	s7 =	smul.u32 @!p0 $0xF7A, s2;
	p2 =	seq.s32 @!p0 s5, $0x0  }
0x1f: {  	s9 =	smul.u32 $0xF7A, s1;
	s8 =	simm.s32 @!p0 $0x1BF5;
	p2 =	por !p2, p0  }
0x20: {  	[sflag:s8] =	ssyncset.s32 @!p0 $0xFFFFF086;
	s6 =	sadd.s32 @!p0 s3, s7;
	s7 =	simm.s32 @!p0 $0x108  }
0x21: {  	s3 =	sadd.s32 s3, s9;
	s6 =	sadd.s32 @!p0 $0x88, s6;
	s7 =	simm.s32 @p2 $0x1082  }
0x22: {  	[simem:s7], [sflag:s8] =	dma.local @!p0 [hbm:s6], $0xF7A  }
0x23: {  	s9 =	sor.u32 $0xD0000000, s2;
	s6 =	simm.s32 $0x108;
	_ =	swait.ge @!p0 [sflag:s8], $0x0  }
0x24: {  	s3 =	sadd.s32 $0x88, s3;
	s6 =	simm.s32 @!p1 $0x1082;
	[sflag:s4] =	ssyncset.s32 $0xFFFFF086  }
0x25: {  	[simem:s6], [sflag:s4] =	dma.local [hbm:s3], $0xF7A  }
0x26: {  	[smem:$0x3F9D] =	sst s1;
	(tag) =	ssettag s2;
	_ =	strace s9  }
0x27: {  	s1 =	sld [smem:$0x3FAD]  }
0x28: {  	s2 =	sld [smem:$0x3FAE]  }
0x29: {  	s4 =	sld [smem:$0x3FB0]  }
0x2a: {  	p0 =	seq.s32 s5, $0x0;
	s5 =	sld [smem:$0x3FB1]  }
0x2b: {  	s6 =	sld [smem:$0x3FB2]  }
0x2c: {  	s7 =	sld [smem:$0x3FB3]  }
0x2d: {  	s3 =	simm.s32 $0x108;
	s8 =	sld [smem:$0x3FB4]  }
0x2e: {  	s3 =	simm.s32 @!p0 $0x1082;
	s9 =	sld [smem:$0x3FB5]  }
0x2f: {  	lr =	sadd.s32 s0, s3;
	s0 =	sld [smem:$0x3FAC]  }
0x30: {  	s3 =	sld [smem:$0x3FAF]  }
0x31: {  	[smem:$0x3FB8] =	sst s10  }
0x32: {  	s10 =	sld [smem:$0x3FB6];
	_ =	sdelay $0x3  }
0x33: {  	p0 =	seq.s32 s10, $0x1;
	s10 =	sld [smem:$0x3FB8];
	_ =	sdelay $0x3  }
0x34: {  	[smem:$0x3FB8] =	sst s10  }
0x35: {  	s10 =	sld [smem:$0x3FB7];
	_ =	sdelay $0x3  }
0x36: {  	p1 =	seq.s32 s10, $0x1;
	s10 =	sld [smem:$0x3FB8];
	_ =	sdelay $0x3  }
0x37: {  	[smem:$0x3FB8] =	sst s10  }
0x38: {  	s10 =	sld [smem:$0x3FB9]  }
0x39: {  	_ = 	snop;
	(pc) =	sbr.ind lr, $3  }
0x3a: {  	_ = 	snop  }
0x3b: {  	_ = 	snop  }
0x3c: {  	p2 =	seq.s32 s10, $0x1;
	s10 =	sld [smem:$0x3FB8]  }
0x3d: {  	_ =	shalt  }
0x3e: {  	_ =	shalt  }
0x3f: {  	_ =	shalt  }
0x40: {  	_ =	shalt  }
0x41: {  	_ =	shalt  }
0x42: {  	_ =	shalt  }
0x43: {  	_ =	shalt  }
0x44: {  	_ =	shalt  }
0x45: {  	_ =	shalt  }
0x46: {  	_ =	shalt  }
0x47: {  	_ =	shalt  }
0x48: {  	_ =	shalt  }
0x49: {  	_ =	shalt  }
0x4a: {  	_ =	shalt  }
0x4b: {  	_ =	shalt  }
0x4c: {  	_ =	shalt  }
0x4d: {  	_ =	shalt  }
0x4e: {  	_ =	shalt  }
0x4f: {  	_ =	shalt  }
0x50: {  	_ =	shalt  }
0x51: {  	_ =	shalt  }
0x52: {  	_ =	shalt  }
0x53: {  	_ =	shalt  }
0x54: {  	_ =	shalt  }
0x55: {  	_ =	shalt  }
0x56: {  	_ =	shalt  }
0x57: {  	_ =	shalt  }
0x58: {  	_ =	shalt  }
0x59: {  	_ =	shalt  }
0x5a: {  	_ =	shalt  }
0x5b: {  	_ =	shalt  }
0x5c: {  	_ =	shalt  }
0x5d: {  	_ =	shalt  }
0x5e: {  	_ =	shalt  }
0x5f: {  	_ =	shalt  }
0x60: {  	_ =	shalt  }
0x61: {  	_ =	shalt  }
0x62: {  	_ =	shalt  }
0x63: {  	_ =	shalt  }
0x64: {  	_ =	shalt  }
0x65: {  	_ =	shalt  }
0x66: {  	_ =	shalt  }
0x67: {  	_ =	shalt  }
0x68: {  	_ =	shalt  }
0x69: {  	_ =	shalt  }
0x6a: {  	_ =	shalt  }
0x6b: {  	_ =	shalt  }
0x6c: {  	_ =	shalt  }
0x6d: {  	_ =	shalt  }
0x6e: {  	_ =	shalt  }
0x6f: {  	_ =	shalt  }
0x70: {  	_ =	shalt  }
0x71: {  	_ =	shalt  }
0x72: {  	_ =	shalt  }
0x73: {  	_ =	shalt  }
0x74: {  	_ =	shalt  }
0x75: {  	_ =	shalt  }
0x76: {  	_ =	shalt  }
0x77: {  	_ =	shalt  }
0x78: {  	_ =	shalt  }
0x79: {  	_ =	shalt  }
0x7a: {  	_ =	shalt  }
0x7b: {  	_ =	shalt  }
0x7c: {  	_ =	shalt  }
0x7d: {  	_ =	shalt  }
0x7e: {  	_ =	shalt  }
0x7f: {  	_ =	shalt  }
0x80: {  	_ =	shalt  }
0x81: {  	_ =	shalt  }
0x82: {  	_ =	shalt  }
0x83: {  	_ =	shalt  }
0x84: {  	_ =	shalt  }
0x85: {  	_ =	shalt  }
0x86: {  	_ =	shalt  }
0x87: {  	_ =	shalt  }
.Lfunc_end0:
.L_simem_size_0:
called_computation_lowered:
.L_overlay_start_0:
0x88: {  	s2 =	sld [smem:$0x3FD9]  }
0x89: {  	s3 =	sld [smem:$0x3FFE];
	_ =	sdelay $0x1  }
0x8a: {  	s1 =	srdreg.scid  }
0x8b: {  	s0 =	sand.u32 $0x1, s1  }
0x8c: {  	s17 =	sshll.u32 s0, $0xA;
	s2 =	sadd.s32 s3, s2  }
0x8d: {  	s2 =	sadd.s32 s2, s17  }
0x8e: {  	[smem:$0x3FC4] =	sst s2  }
0x8f: {  	_ = 	snop  }
0x90: {  	s2 =	sld [smem:$0x3FC8]  }
0x91: {  	s18 =	sld [smem:$0x3FD0];
	(tm) =	ssettm $0x1  }
0x92: {  	s4 =	sld [smem:$0x3FFB];
	_ =	sdelay $0x3  }
0x93: {  	_ =	strace s4  }
0x94: {  	s4 =	sld [smem:$0x3FFC];
	_ =	sdelay $0x3  }
0x95: {  	_ =	strace s4  }
0x96: {  	s4 =	sld [smem:$0x3FFD];
	_ =	sdelay $0x3  }
0x97: {  	_ =	strace s4  }
0x98: {  	_ =	strace $0x8FFFFFFF  }
0x99: {  	s19 =	sld [smem:$0x3FDB];
	_ =	sdelay $0x1  }
0x9a: {  	s5 =	simm.s32 $_scs_section_size  }
0x9b: {  	s6 =	simm.s32 $_size__tile_overlayer_lowered;
	s7 =	simm.s32 $_tile_overlayer_lowered  }
0x9c: {  	s22 =	simm.s32 $0x1BFF;
	s21 =	sshll.u32 s7, $0x1;
	s4 =	sadd.s32 s5, s19  }
0x9d: {  	s8 =	simm.s32 $0x0;
	s20 =	sshll.u32 s6, $0x1;
	s6 =	sadd.s32 s21, s4  }
0x9e: {  	[timem:s8], [sflag:s22] =	dma.local [hbm:s6], s20  }
0x9f: {  	_ =	swait.ge [sflag:s22], s20  }
0xa0: {  	s5 =	ssub.s32 $0x0, s20;
	[sflag:s22] =	ssyncset.done $0x0  }
0xa1: {  	[sflag:s22] =	ssyncadd.s32 s5;
	_ =	sdelay $0x1  }
0xa2: {  	s23 =	simm.s32 $0x1B8B  }
0xa3: {  	_ =	swait.ge [sflag:s23], $0x1  }
0xa4: {  	[sflag:s23] =	ssyncset.done $0x0  }
0xa5: {  	s25 =	simm.s32 $0x1B8E;
	s24 =	sld [smem:$0x3FFE];
	[sflag:s23] =	ssyncadd.s32 $0xFFFFFFFF  }
0xa6: {  	s26 =	simm.s32 $execute0_lowered;
	[smem:$0x3FD2] =	sst s25  }
0xa7: {  	s6 =	sshll.u32 s26, $0x1;
	_ =	strace $0x80000046;
	[dreg:$0x1] =	wrdreg $0xFFFFFFFF  }
0xa8: {  	s28 =	simm.s32 $_size_execute0_lowered;
	s4 =	sadd.s32 s4, s6;
	[dreg:$0x0] =	wrdreg $0x0  }
0xa9: {  	s6 =	sshll.u32 s28, $0x1;
	[dreg:$0x2] =	wrdreg s4  }
0xaa: {  	[dreg:$0x3] =	wrdreg s6  }
0xab: {  	[dreg:$0x4] =	wrdreg $0xC0  }
0xac: {  	_ =	task [dreg:s8], $0x5FFFF  }
0xad: {  	[dreg:$0x1] =	wrdreg $0xFFFFFFFF  }
0xae: {  	[dreg:$0x0] =	wrdreg $0x60  }
0xaf: {  	[dreg:$0x2] =	wrdreg s18  }
0xb0: {  	[dreg:$0x3] =	wrdreg s2  }
0xb1: {  	[dreg:$0x4] =	wrdreg s24  }
0xb2: {  	[dreg:$0x5] =	wrdreg $0x9  }
0xb3: {  	_ =	task.clear_ibuf [dreg:s8], $0x6FFFF;
	_ =	strace $0x90000046  }
0xb4: {  	s29 =	simm.s32 $0x9;
	_ =	strace $0x80000048  }
0xb5: {  	_ =	swait.ge [sflag:s29], $0x1  }
0xb6: {  	[sflag:s29] =	ssyncadd.s32 $0xFFFFFFFF  }
0xb7: {  	_ =	strace $0x90000048  }
0xb8: {  	_ =	sfence  }
0xb9: {  	s30 =	sld [smem:$0x0];
	_ =	sdelay $0x2  }
0xba: {  	s31 =	sshll.u32 s1, $0xD;
	s1 =	sshrl.u32 s1, $0x2  }
0xbb: {  	s3 =	sand.u32 $0x4000, s31;
	s1 =	sadd.s32 s1, s30  }
0xbc: {  	s0 =	sor.u32 s3, s0;
	s1 =	sshll.u32 s1, $0x11  }
0xbd: {  	s0 =	sor.u32 s1, s0  }
0xbe: {  	s0 =	sadd.s32 $0x8F2B, s0  }
0xbf: {  	[sflag:s0] =	ssyncadd.remote.s32 $0x1  }
0xc0: {  	_ =	sfence.sel $0xFFFF  }
0xc1: {  	[dreg:$0x0] =	wrdreg $0xFFFFFFFF;
	(pc) =	sbr.abs _section_cstart, $3  }
0xc2: {  	[dreg:$0x1] =	wrdreg $0xFFFFFFFF  }
0xc3: {  	_ =	task.clear_ibuf [dreg:s8], $0x2FFFF;
	_ =	strace $0x9FFFFFFF  }
0xc4: {  	(tm) =	ssettm $0x7FFFFFFF  }
0xc5: {  	_ =	shalt  }
tec
execute0_lowered:
.L_overlay_start_1:
0x0: {  	(tag) =	ssettag $0x1  }
0x1: {  	s0 =	rddreg [dreg:$0x0]  }
0x2: {  	s1 =	rddreg [dreg:$0x1]  }
0x3: {  	s2 =	rddreg [dreg:$0x2];
	s4 =	srdreg.scid  }
0x4: {  	s3 =	simm.s32 $0x0;
	s5 =	stileid.u32;
	s7 =	simm.s32 $0x9  }
0x5: {  	s8 =	simm.s32 $0x32;
	s16 =	simm.s32 $0x200;
	s17 =	simm.s32 $0xB000  }
0x6: {  	s18 =	simm.s32 $0x280;
	s19 =	simm.s32 $0xCC00;
	s20 =	simm.s32 $0x300  }
0x7: {  	s21 =	simm.s32 $0xE800;
	s22 =	simm.s32 $0x380;
	s23 =	simm.s32 $0x10400  }
0x8: {  	s24 =	simm.s32 $0x1;
	s25 =	simm.s32 $0x2;
	s28 =	simm.s32 $0x4  }
0x9: {  	s29 =	simm.s32 $0x5;
	s30 =	simm.s32 $0x6;
	s31 =	simm.s32 $0x7  }
0xa: {  	s9 =	simm.s32 $0x0;
	s4 =	sand.u32 $0x1, s4;
	s5 =	sshll.u32 s5, $0xC  }
.Ltmp0:
0xb: {  	s6 =	sshll.u32 s4, $0xB;
	s4 =	ssub.s32 $0x2, s4;
	(pc) =	sbr.rel .LBB2_1-.Ltmp0, $4  }
0xc: {  	[smem:$0x7FF] =	sst s3;
	s5 =	sor.u32 s6, s5;
	s26 =	sshrl.u32 s4, $0x1  }
0xd: {  	_ =	strace $0x80000047;
	s2 =	sadd.s32 s5, s2;
	s6 =	ssub.s32 s4, s26  }
0xe: {  	s4 =	sadd.s32 s0, s5;
	s26 =	simm.s32 $0x3;
	s0 =	simm.s32 $0x8  }
0xf: {  	s5 =	sadd.s32 $0xC00, s2;
	s6 =	smax.u32 s6, $0x1;
	s2 =	simm.s32 $0x12000  }
.LBB2_20:
0x10: {  	s9 =	sadd.s32 $0x1, s9  }
0x11: {  	p0 =	sne.s32 s9, s6  }
.Ltmp1:
0x12: {  	_ = 	snop;
	(pc) =	sbr.rel @!p0 .LBB2_21-.Ltmp1, $4  }
0x13: {  	[hbm4b:s5+s3] =	stream.linear.scatter [tilespmem:s2], [sflag:$0x9], $0x4000, $0x38;
	[tilespmem:$0x16000] =	vst v63  }
0x14: {  	_ =	swait.ge [sflag:s7], $0x4000  }
0x15: {  	[sflag:s7] =	ssyncset.done $0x0  }
0x16: {  	[sflag:s7] =	ssyncadd.s32 $0xFFFFC000  }
.LBB2_1:
0x17: {  	[tilespmem:s3], [sflag:$0x9] =	stream.linear.gather [hbm4b:s4+s3], $0x4000, $0x38;
	[tilespmem:$0x16000] =	vst v63  }
0x18: {  	_ =	swait.ge [sflag:s7], $0x4000  }
0x19: {  	[sflag:s7] =	ssyncset.done $0x0  }
0x1a: {  	s10 =	simm.s32 $0x4000;
	[sflag:s7] =	ssyncadd.s32 $0xFFFFC000  }
0x1b: {  	[tilespmem:s10], [sflag:$0x1] =	stream.indirect.gather [hbm4b:s1+s8], $0x80, s3, s8, $0xb8;
	[tilespmem:$0x16000] =	vst v63  }
0x1c: {  	s15 =	simm.s32 $0x80;
	s11 =	simm.s32 $0x5C00  }
0x1d: {  	[tilespmem:s11], [sflag:$0x2] =	stream.indirect.gather [hbm4b:s1+s8], $0x80, s15, s8, $0xb8;
	[tilespmem:$0x16000] =	vst v63  }
0x1e: {  	s12 =	simm.s32 $0x100;
	s13 =	simm.s32 $0x7800  }
0x1f: {  	[tilespmem:s13], [sflag:$0x3] =	stream.indirect.gather [hbm4b:s1+s8], $0x80, s12, s8, $0xb8;
	[tilespmem:$0x16000] =	vst v63  }
0x20: {  	s14 =	simm.s32 $0x180;
	s15 =	simm.s32 $0x9400  }
0x21: {  	[tilespmem:s15], [sflag:$0x4] =	stream.indirect.gather [hbm4b:s1+s8], $0x80, s14, s8, $0xb8;
	[tilespmem:$0x16000] =	vst v63  }
0x22: {  	_ = 	snop  }
0x23: {  	[tilespmem:s17], [sflag:$0x5] =	stream.indirect.gather [hbm4b:s1+s8], $0x80, s16, s8, $0xb8;
	[tilespmem:$0x16000] =	vst v63  }
0x24: {  	_ = 	snop  }
0x25: {  	[tilespmem:s19], [sflag:$0x6] =	stream.indirect.gather [hbm4b:s1+s8], $0x80, s18, s8, $0xb8;
	[tilespmem:$0x16000] =	vst v63  }
0x26: {  	_ = 	snop  }
0x27: {  	[tilespmem:s21], [sflag:$0x7] =	stream.indirect.gather [hbm4b:s1+s8], $0x80, s20, s8, $0xb8;
	[tilespmem:$0x16000] =	vst v63  }
0x28: {  	s10 =	simm.s32 $0x0  }
0x29: {  	[tilespmem:s23], [sflag:$0x8] =	stream.indirect.gather [hbm4b:s1+s8], $0x80, s22, s8, $0xb8;
	[tilespmem:$0x16000] =	vst v63  }
.LBB2_2:
0x2a: {  	_ =	swait.ge [sflag:s24], $0x1900  }
0x2b: {  	[sflag:s24] =	ssyncset.done $0x0  }
0x2c: {  	s13 =	simm.s32 $0x0;
	[sflag:s24] =	ssyncadd.s32 $0xFFFFE700  }
0x2d: {  	v0 =	vld [tilespmem:s13+$0x4070]  }
0x2e: {  	v1 =	vld [tilespmem:s13+$0x4000]  }
0x2f: {  	v3 =	vld [tilespmem:s13+$0x4010]  }
0x30: {  	v12 =	vld [tilespmem:s13+$0x4020]  }
0x31: {  	v10 =	vld [tilespmem:s13+$0x4030]  }
0x32: {  	v2 =	vimm.f32 $0.0e+00;
	v6 =	vimm.f32 $0.0e+00;
	v5 =	vld [tilespmem:s13+$0x4040]  }
0x33: {  	v7 =	vimm.f32 $0.0e+00;
	v8 =	vld [tilespmem:s13+$0x4050];
	v0 =	vadd.f32 v0, v2;
	v9 =	vadd.f32 v1, v2  }
0x34: {  	s11 =	simm.s32 $0x80;
	s12 =	simm.s32 $0x400;
	v11 =	vld [tilespmem:s13+$0x4060];
	v4 =	vadd.f32 v3, v2;
	v3 =	vimm.f32 $0.0e+00;
	v1 =	vimm.f32 $0.0e+00  }
.LBB2_3:
0x35: {  	p0 =	sne.s32 s12, $0x6200;
	v13 =	vld [tilespmem:s11+$0x4070];
	v2 =	vadd.f32 v12, v2  }
0x36: {  	v14 =	vld [tilespmem:s11+$0x4000];
	v6 =	vadd.f32 v10, v6  }
0x37: {  	v15 =	vld [tilespmem:s11+$0x4010];
	v7 =	vadd.f32 v5, v7  }
.Ltmp2:
0x38: {  	v12 =	vld [tilespmem:s11+$0x4020];
	v3 =	vadd.f32 v8, v3;
	(pc) =	sbr.rel @p0 .LBB2_3-.Ltmp2, $4  }
0x39: {  	v10 =	vld [tilespmem:s11+$0x4030];
	v1 =	vadd.f32 v11, v1  }
0x3a: {  	v5 =	vld [tilespmem:s11+$0x4040];
	v0 =	vadd.f32 v13, v0  }
0x3b: {  	v9 =	vadd.f32 v14, v9;
	v8 =	vld [tilespmem:s11+$0x4050]  }
0x3c: {  	v4 =	vadd.f32 v15, v4;
	v11 =	vld [tilespmem:s11+$0x4060];
	s11 =	sshra.s32 s12, $0x2;
	s12 =	sadd.s32 $0x200, s12  }
0x3d: {  	v13 =	vld [tilespmem:s11+$0x4070]  }
0x3e: {  	v14 =	vld [tilespmem:s11+$0x4000]  }
0x3f: {  	v15 =	vld [tilespmem:s11+$0x4010]  }
0x40: {  	v16 =	vld [tilespmem:s11+$0x4020]  }
0x41: {  	v17 =	vld [tilespmem:s11+$0x4030]  }
0x42: {  	v18 =	vld [tilespmem:s11+$0x4040];
	v2 =	vadd.f32 v12, v2  }
0x43: {  	s12 =	sshll.u32 s10, $0xC;
	v6 =	vadd.f32 v10, v6;
	v10 =	vld [tilespmem:s11+$0x4060];
	v9 =	vadd.f32 v14, v9  }
0x44: {  	v12 =	vld [tilespmem:s11+$0x4050];
	s11 =	sshrl.u32 s12, $0x2;
	v4 =	vadd.f32 v15, v4  }
0x45: {  	v2 =	vadd.f32 v16, v2;
	[tilespmem:s11+$0x12000] =	vst v9  }
0x46: {  	v1 =	vadd.f32 v11, v1;
	v6 =	vadd.f32 v17, v6;
	[tilespmem:s11+$0x12010] =	vst v4  }
0x47: {  	v5 =	vadd.f32 v5, v7;
	v0 =	vadd.f32 v13, v0;
	[tilespmem:s11+$0x12020] =	vst v2  }
0x48: {  	v3 =	vadd.f32 v8, v3;
	v1 =	vadd.f32 v10, v1;
	[tilespmem:s11+$0x12030] =	vst v6  }
0x49: {  	v4 =	vadd.f32 v18, v5;
	[tilespmem:s11+$0x12070] =	vst v0  }
0x4a: {  	p0 =	seq.s32 s10, $0xF;
	v2 =	vadd.f32 v12, v3;
	[tilespmem:s11+$0x12060] =	vst v1  }
0x4b: {  	s12 =	sshrl.u32 @!p0 s12, $0x2;
	[tilespmem:s11+$0x12040] =	vst v4  }
0x4c: {  	s14 =	simm.s32 @!p0 $0x32;
	s15 =	simm.s32 @!p0 $0x4000;
	s13 =	sadd.s32 @!p0 $0x400, s12;
	[tilespmem:s11+$0x12050] =	vst v2  }
0x4d: {  	[tilespmem:s15], [sflag:$0x1] =	stream.indirect.gather @!p0 [hbm4b:s1+s14], $0x80, s13, s14, $0xb8;
	[tilespmem:$0x16000] =	vst v63  }
0x4e: {  	_ =	swait.ge [sflag:s25], $0x1900  }
0x4f: {  	[sflag:s25] =	ssyncset.done $0x0  }
0x50: {  	s15 =	simm.s32 $0x0;
	[sflag:s25] =	ssyncadd.s32 $0xFFFFE700  }
0x51: {  	v0 =	vld [tilespmem:s15+$0x5C70]  }
0x52: {  	v2 =	vld [tilespmem:s15+$0x5C00]  }
0x53: {  	v3 =	vld [tilespmem:s15+$0x5C10]  }
0x54: {  	v11 =	vld [tilespmem:s15+$0x5C20]  }
0x55: {  	v10 =	vld [tilespmem:s15+$0x5C30]  }
0x56: {  	v8 =	vimm.f32 $0.0e+00;
	v1 =	vimm.f32 $0.0e+00;
	v7 =	vld [tilespmem:s15+$0x5C40]  }
0x57: {  	v6 =	vimm.f32 $0.0e+00;
	v4 =	vimm.f32 $0.0e+00;
	v9 =	vld [tilespmem:s15+$0x5C50];
	v0 =	vadd.f32 v0, v1  }
0x58: {  	s13 =	simm.s32 $0x80;
	s14 =	simm.s32 $0x400;
	v12 =	vld [tilespmem:s15+$0x5C60];
	v5 =	vadd.f32 v2, v1;
	v3 =	vadd.f32 v3, v1;
	v2 =	vimm.f32 $0.0e+00  }
.LBB2_5:
0x59: {  	p1 =	sne.s32 s14, $0x6200;
	v13 =	vld [tilespmem:s13+$0x5C70];
	v1 =	vadd.f32 v11, v1  }
0x5a: {  	v14 =	vld [tilespmem:s13+$0x5C00];
	v6 =	vadd.f32 v10, v6  }
0x5b: {  	v15 =	vld [tilespmem:s13+$0x5C10];
	v8 =	vadd.f32 v7, v8  }
.Ltmp3:
0x5c: {  	v11 =	vld [tilespmem:s13+$0x5C20];
	v4 =	vadd.f32 v9, v4;
	(pc) =	sbr.rel @p1 .LBB2_5-.Ltmp3, $4  }
0x5d: {  	v10 =	vld [tilespmem:s13+$0x5C30];
	v2 =	vadd.f32 v12, v2  }
0x5e: {  	v7 =	vld [tilespmem:s13+$0x5C40];
	v0 =	vadd.f32 v13, v0  }
0x5f: {  	v5 =	vadd.f32 v14, v5;
	v9 =	vld [tilespmem:s13+$0x5C50]  }
0x60: {  	v3 =	vadd.f32 v15, v3;
	v12 =	vld [tilespmem:s13+$0x5C60];
	s13 =	sshra.s32 s14, $0x2;
	s14 =	sadd.s32 $0x200, s14  }
0x61: {  	v14 =	vld [tilespmem:s13+$0x5C00]  }
0x62: {  	v15 =	vld [tilespmem:s13+$0x5C10]  }
0x63: {  	v16 =	vld [tilespmem:s13+$0x5C20]  }
0x64: {  	v13 =	vld [tilespmem:s13+$0x5C70]  }
0x65: {  	v6 =	vadd.f32 v10, v6;
	v10 =	vld [tilespmem:s13+$0x5C60]  }
0x66: {  	v17 =	vld [tilespmem:s13+$0x5C30];
	v1 =	vadd.f32 v11, v1;
	v5 =	vadd.f32 v14, v5  }
0x67: {  	v18 =	vld [tilespmem:s13+$0x5C40];
	v3 =	vadd.f32 v15, v3  }
0x68: {  	v11 =	vld [tilespmem:s13+$0x5C50];
	v2 =	vadd.f32 v12, v2;
	v1 =	vadd.f32 v16, v1;
	[tilespmem:s11+$0x12080] =	vst v5  }
0x69: {  	v0 =	vadd.f32 v13, v0;
	[tilespmem:s11+$0x12090] =	vst v3  }
0x6a: {  	v7 =	vadd.f32 v7, v8;
	v2 =	vadd.f32 v10, v2;
	[tilespmem:s11+$0x120A0] =	vst v1  }
0x6b: {  	v4 =	vadd.f32 v9, v4;
	v5 =	vadd.f32 v17, v6;
	[tilespmem:s11+$0x120F0] =	vst v0  }
0x6c: {  	v3 =	vadd.f32 v18, v7;
	[tilespmem:s11+$0x120E0] =	vst v2  }
0x6d: {  	v1 =	vadd.f32 v11, v4;
	[tilespmem:s11+$0x120B0] =	vst v5  }
0x6e: {  	[tilespmem:s11+$0x120C0] =	vst v3  }
0x6f: {  	s14 =	simm.s32 @!p0 $0x32;
	s15 =	simm.s32 @!p0 $0x5C00;
	s13 =	sadd.s32 @!p0 $0x480, s12;
	[tilespmem:s11+$0x120D0] =	vst v1  }
0x70: {  	[tilespmem:s15], [sflag:$0x2] =	stream.indirect.gather @!p0 [hbm4b:s1+s14], $0x80, s13, s14, $0xb8;
	[tilespmem:$0x16000] =	vst v63  }
0x71: {  	_ =	swait.ge [sflag:s26], $0x1900  }
0x72: {  	[sflag:s26] =	ssyncset.done $0x0  }
0x73: {  	s15 =	simm.s32 $0x0;
	[sflag:s26] =	ssyncadd.s32 $0xFFFFE700  }
0x74: {  	v0 =	vld [tilespmem:s15+$0x7870]  }
0x75: {  	v2 =	vld [tilespmem:s15+$0x7800]  }
0x76: {  	v3 =	vld [tilespmem:s15+$0x7810]  }
0x77: {  	v11 =	vld [tilespmem:s15+$0x7820]  }
0x78: {  	v10 =	vld [tilespmem:s15+$0x7830]  }
0x79: {  	v8 =	vimm.f32 $0.0e+00;
	v1 =	vimm.f32 $0.0e+00;
	v7 =	vld [tilespmem:s15+$0x7840]  }
0x7a: {  	v6 =	vimm.f32 $0.0e+00;
	v4 =	vimm.f32 $0.0e+00;
	v9 =	vld [tilespmem:s15+$0x7850];
	v0 =	vadd.f32 v0, v1  }
0x7b: {  	s13 =	simm.s32 $0x80;
	s14 =	simm.s32 $0x400;
	v12 =	vld [tilespmem:s15+$0x7860];
	v5 =	vadd.f32 v2, v1;
	v3 =	vadd.f32 v3, v1;
	v2 =	vimm.f32 $0.0e+00  }
.LBB2_7:
0x7c: {  	p1 =	sne.s32 s14, $0x6200;
	v13 =	vld [tilespmem:s13+$0x7870];
	v1 =	vadd.f32 v11, v1  }
0x7d: {  	v14 =	vld [tilespmem:s13+$0x7800];
	v6 =	vadd.f32 v10, v6  }
0x7e: {  	v15 =	vld [tilespmem:s13+$0x7810];
	v8 =	vadd.f32 v7, v8  }
.Ltmp4:
0x7f: {  	v11 =	vld [tilespmem:s13+$0x7820];
	v4 =	vadd.f32 v9, v4;
	(pc) =	sbr.rel @p1 .LBB2_7-.Ltmp4, $4  }
0x80: {  	v10 =	vld [tilespmem:s13+$0x7830];
	v2 =	vadd.f32 v12, v2  }
0x81: {  	v7 =	vld [tilespmem:s13+$0x7840];
	v0 =	vadd.f32 v13, v0  }
0x82: {  	v5 =	vadd.f32 v14, v5;
	v9 =	vld [tilespmem:s13+$0x7850]  }
0x83: {  	v3 =	vadd.f32 v15, v3;
	v12 =	vld [tilespmem:s13+$0x7860];
	s13 =	sshra.s32 s14, $0x2;
	s14 =	sadd.s32 $0x200, s14  }
0x84: {  	v14 =	vld [tilespmem:s13+$0x7800]  }
0x85: {  	v15 =	vld [tilespmem:s13+$0x7810]  }
0x86: {  	v16 =	vld [tilespmem:s13+$0x7820]  }
0x87: {  	v13 =	vld [tilespmem:s13+$0x7870]  }
0x88: {  	v6 =	vadd.f32 v10, v6;
	v10 =	vld [tilespmem:s13+$0x7860]  }
0x89: {  	v17 =	vld [tilespmem:s13+$0x7830];
	v1 =	vadd.f32 v11, v1;
	v5 =	vadd.f32 v14, v5  }
0x8a: {  	v18 =	vld [tilespmem:s13+$0x7840];
	v3 =	vadd.f32 v15, v3  }
0x8b: {  	v11 =	vld [tilespmem:s13+$0x7850];
	v2 =	vadd.f32 v12, v2;
	v1 =	vadd.f32 v16, v1;
	[tilespmem:s11+$0x12100] =	vst v5  }
0x8c: {  	v0 =	vadd.f32 v13, v0;
	[tilespmem:s11+$0x12110] =	vst v3  }
0x8d: {  	v7 =	vadd.f32 v7, v8;
	v2 =	vadd.f32 v10, v2;
	[tilespmem:s11+$0x12120] =	vst v1  }
0x8e: {  	v4 =	vadd.f32 v9, v4;
	v5 =	vadd.f32 v17, v6;
	[tilespmem:s11+$0x12170] =	vst v0  }
0x8f: {  	v3 =	vadd.f32 v18, v7;
	[tilespmem:s11+$0x12160] =	vst v2  }
0x90: {  	v1 =	vadd.f32 v11, v4;
	[tilespmem:s11+$0x12130] =	vst v5  }
0x91: {  	[tilespmem:s11+$0x12140] =	vst v3  }
0x92: {  	s14 =	simm.s32 @!p0 $0x32;
	s15 =	simm.s32 @!p0 $0x7800;
	s13 =	sadd.s32 @!p0 $0x500, s12;
	[tilespmem:s11+$0x12150] =	vst v1  }
0x93: {  	[tilespmem:s15], [sflag:$0x3] =	stream.indirect.gather @!p0 [hbm4b:s1+s14], $0x80, s13, s14, $0xb8;
	[tilespmem:$0x16000] =	vst v63  }
0x94: {  	_ =	swait.ge [sflag:s28], $0x1900  }
0x95: {  	[sflag:s28] =	ssyncset.done $0x0  }
0x96: {  	s15 =	simm.s32 $0x0;
	[sflag:s28] =	ssyncadd.s32 $0xFFFFE700  }
0x97: {  	v0 =	vld [tilespmem:s15+$0x9470]  }
0x98: {  	v2 =	vld [tilespmem:s15+$0x9400]  }
0x99: {  	v3 =	vld [tilespmem:s15+$0x9410]  }
0x9a: {  	v11 =	vld [tilespmem:s15+$0x9420]  }
0x9b: {  	v10 =	vld [tilespmem:s15+$0x9430]  }
0x9c: {  	v8 =	vimm.f32 $0.0e+00;
	v1 =	vimm.f32 $0.0e+00;
	v7 =	vld [tilespmem:s15+$0x9440]  }
0x9d: {  	v6 =	vimm.f32 $0.0e+00;
	v4 =	vimm.f32 $0.0e+00;
	v9 =	vld [tilespmem:s15+$0x9450];
	v0 =	vadd.f32 v0, v1  }
0x9e: {  	s13 =	simm.s32 $0x80;
	s14 =	simm.s32 $0x400;
	v12 =	vld [tilespmem:s15+$0x9460];
	v5 =	vadd.f32 v2, v1;
	v3 =	vadd.f32 v3, v1;
	v2 =	vimm.f32 $0.0e+00  }
.LBB2_9:
0x9f: {  	p1 =	sne.s32 s14, $0x6200;
	v13 =	vld [tilespmem:s13+$0x9470];
	v1 =	vadd.f32 v11, v1  }
0xa0: {  	v14 =	vld [tilespmem:s13+$0x9400];
	v6 =	vadd.f32 v10, v6  }
0xa1: {  	v15 =	vld [tilespmem:s13+$0x9410];
	v8 =	vadd.f32 v7, v8  }
.Ltmp5:
0xa2: {  	v11 =	vld [tilespmem:s13+$0x9420];
	v4 =	vadd.f32 v9, v4;
	(pc) =	sbr.rel @p1 .LBB2_9-.Ltmp5, $4  }
0xa3: {  	v10 =	vld [tilespmem:s13+$0x9430];
	v2 =	vadd.f32 v12, v2  }
0xa4: {  	v7 =	vld [tilespmem:s13+$0x9440];
	v0 =	vadd.f32 v13, v0  }
0xa5: {  	v5 =	vadd.f32 v14, v5;
	v9 =	vld [tilespmem:s13+$0x9450]  }
0xa6: {  	v3 =	vadd.f32 v15, v3;
	v12 =	vld [tilespmem:s13+$0x9460];
	s13 =	sshra.s32 s14, $0x2;
	s14 =	sadd.s32 $0x200, s14  }
0xa7: {  	v14 =	vld [tilespmem:s13+$0x9400]  }
0xa8: {  	v15 =	vld [tilespmem:s13+$0x9410]  }
0xa9: {  	v16 =	vld [tilespmem:s13+$0x9420]  }
0xaa: {  	v13 =	vld [tilespmem:s13+$0x9470]  }
0xab: {  	v6 =	vadd.f32 v10, v6;
	v10 =	vld [tilespmem:s13+$0x9460]  }
0xac: {  	v17 =	vld [tilespmem:s13+$0x9430];
	v1 =	vadd.f32 v11, v1;
	v5 =	vadd.f32 v14, v5  }
0xad: {  	v18 =	vld [tilespmem:s13+$0x9440];
	v3 =	vadd.f32 v15, v3  }
0xae: {  	v11 =	vld [tilespmem:s13+$0x9450];
	v2 =	vadd.f32 v12, v2;
	v1 =	vadd.f32 v16, v1;
	[tilespmem:s11+$0x12180] =	vst v5  }
0xaf: {  	v0 =	vadd.f32 v13, v0;
	[tilespmem:s11+$0x12190] =	vst v3  }
0xb0: {  	v7 =	vadd.f32 v7, v8;
	v2 =	vadd.f32 v10, v2;
	[tilespmem:s11+$0x121A0] =	vst v1  }
0xb1: {  	v4 =	vadd.f32 v9, v4;
	v5 =	vadd.f32 v17, v6;
	[tilespmem:s11+$0x121F0] =	vst v0  }
0xb2: {  	v3 =	vadd.f32 v18, v7;
	[tilespmem:s11+$0x121E0] =	vst v2  }
0xb3: {  	v1 =	vadd.f32 v11, v4;
	[tilespmem:s11+$0x121B0] =	vst v5  }
0xb4: {  	[tilespmem:s11+$0x121C0] =	vst v3  }
0xb5: {  	s14 =	simm.s32 @!p0 $0x32;
	s15 =	simm.s32 @!p0 $0x9400;
	s13 =	sadd.s32 @!p0 $0x580, s12;
	[tilespmem:s11+$0x121D0] =	vst v1  }
0xb6: {  	[tilespmem:s15], [sflag:$0x4] =	stream.indirect.gather @!p0 [hbm4b:s1+s14], $0x80, s13, s14, $0xb8;
	[tilespmem:$0x16000] =	vst v63  }
0xb7: {  	_ =	swait.ge [sflag:s29], $0x1900  }
0xb8: {  	[sflag:s29] =	ssyncset.done $0x0  }
0xb9: {  	s15 =	simm.s32 $0x0;
	[sflag:s29] =	ssyncadd.s32 $0xFFFFE700  }
0xba: {  	v0 =	vld [tilespmem:s15+$0xB070]  }
0xbb: {  	v2 =	vld [tilespmem:s15+$0xB000]  }
0xbc: {  	v3 =	vld [tilespmem:s15+$0xB010]  }
0xbd: {  	v11 =	vld [tilespmem:s15+$0xB020]  }
0xbe: {  	v10 =	vld [tilespmem:s15+$0xB030]  }
0xbf: {  	v8 =	vimm.f32 $0.0e+00;
	v1 =	vimm.f32 $0.0e+00;
	v7 =	vld [tilespmem:s15+$0xB040]  }
0xc0: {  	v6 =	vimm.f32 $0.0e+00;
	v4 =	vimm.f32 $0.0e+00;
	v9 =	vld [tilespmem:s15+$0xB050];
	v0 =	vadd.f32 v0, v1  }
0xc1: {  	s13 =	simm.s32 $0x80;
	s14 =	simm.s32 $0x400;
	v12 =	vld [tilespmem:s15+$0xB060];
	v5 =	vadd.f32 v2, v1;
	v3 =	vadd.f32 v3, v1;
	v2 =	vimm.f32 $0.0e+00  }
.LBB2_11:
0xc2: {  	p1 =	sne.s32 s14, $0x6200;
	v13 =	vld [tilespmem:s13+$0xB070];
	v1 =	vadd.f32 v11, v1  }
0xc3: {  	v14 =	vld [tilespmem:s13+$0xB000];
	v6 =	vadd.f32 v10, v6  }
0xc4: {  	v15 =	vld [tilespmem:s13+$0xB010];
	v8 =	vadd.f32 v7, v8  }
.Ltmp6:
0xc5: {  	v11 =	vld [tilespmem:s13+$0xB020];
	v4 =	vadd.f32 v9, v4;
	(pc) =	sbr.rel @p1 .LBB2_11-.Ltmp6, $4  }
0xc6: {  	v10 =	vld [tilespmem:s13+$0xB030];
	v2 =	vadd.f32 v12, v2  }
0xc7: {  	v7 =	vld [tilespmem:s13+$0xB040];
	v0 =	vadd.f32 v13, v0  }
0xc8: {  	v5 =	vadd.f32 v14, v5;
	v9 =	vld [tilespmem:s13+$0xB050]  }
0xc9: {  	v3 =	vadd.f32 v15, v3;
	v12 =	vld [tilespmem:s13+$0xB060];
	s13 =	sshra.s32 s14, $0x2;
	s14 =	sadd.s32 $0x200, s14  }
0xca: {  	v14 =	vld [tilespmem:s13+$0xB000]  }
0xcb: {  	v15 =	vld [tilespmem:s13+$0xB010]  }
0xcc: {  	v16 =	vld [tilespmem:s13+$0xB020]  }
0xcd: {  	v13 =	vld [tilespmem:s13+$0xB070]  }
0xce: {  	v6 =	vadd.f32 v10, v6;
	v10 =	vld [tilespmem:s13+$0xB060]  }
0xcf: {  	v17 =	vld [tilespmem:s13+$0xB030];
	v1 =	vadd.f32 v11, v1;
	v5 =	vadd.f32 v14, v5  }
0xd0: {  	v18 =	vld [tilespmem:s13+$0xB040];
	v3 =	vadd.f32 v15, v3  }
0xd1: {  	v11 =	vld [tilespmem:s13+$0xB050];
	v2 =	vadd.f32 v12, v2;
	v1 =	vadd.f32 v16, v1;
	[tilespmem:s11+$0x12200] =	vst v5  }
0xd2: {  	v0 =	vadd.f32 v13, v0;
	[tilespmem:s11+$0x12210] =	vst v3  }
0xd3: {  	v7 =	vadd.f32 v7, v8;
	v2 =	vadd.f32 v10, v2;
	[tilespmem:s11+$0x12220] =	vst v1  }
0xd4: {  	v4 =	vadd.f32 v9, v4;
	v5 =	vadd.f32 v17, v6;
	[tilespmem:s11+$0x12270] =	vst v0  }
0xd5: {  	v3 =	vadd.f32 v18, v7;
	[tilespmem:s11+$0x12260] =	vst v2  }
0xd6: {  	v1 =	vadd.f32 v11, v4;
	[tilespmem:s11+$0x12230] =	vst v5  }
0xd7: {  	[tilespmem:s11+$0x12240] =	vst v3  }
0xd8: {  	s14 =	simm.s32 @!p0 $0x32;
	s15 =	simm.s32 @!p0 $0xB000;
	s13 =	sadd.s32 @!p0 $0x600, s12;
	[tilespmem:s11+$0x12250] =	vst v1  }
0xd9: {  	[tilespmem:s15], [sflag:$0x5] =	stream.indirect.gather @!p0 [hbm4b:s1+s14], $0x80, s13, s14, $0xb8;
	[tilespmem:$0x16000] =	vst v63  }
0xda: {  	_ =	swait.ge [sflag:s30], $0x1900  }
0xdb: {  	[sflag:s30] =	ssyncset.done $0x0  }
0xdc: {  	s15 =	simm.s32 $0x0;
	[sflag:s30] =	ssyncadd.s32 $0xFFFFE700  }
0xdd: {  	v0 =	vld [tilespmem:s15+$0xCC70]  }
0xde: {  	v2 =	vld [tilespmem:s15+$0xCC00]  }
0xdf: {  	v3 =	vld [tilespmem:s15+$0xCC10]  }
0xe0: {  	v11 =	vld [tilespmem:s15+$0xCC20]  }
0xe1: {  	v10 =	vld [tilespmem:s15+$0xCC30]  }
0xe2: {  	v8 =	vimm.f32 $0.0e+00;
	v1 =	vimm.f32 $0.0e+00;
	v7 =	vld [tilespmem:s15+$0xCC40]  }
0xe3: {  	v6 =	vimm.f32 $0.0e+00;
	v4 =	vimm.f32 $0.0e+00;
	v9 =	vld [tilespmem:s15+$0xCC50];
	v0 =	vadd.f32 v0, v1  }
0xe4: {  	s13 =	simm.s32 $0x80;
	s14 =	simm.s32 $0x400;
	v12 =	vld [tilespmem:s15+$0xCC60];
	v5 =	vadd.f32 v2, v1;
	v3 =	vadd.f32 v3, v1;
	v2 =	vimm.f32 $0.0e+00  }
.LBB2_13:
0xe5: {  	p1 =	sne.s32 s14, $0x6200;
	v13 =	vld [tilespmem:s13+$0xCC70];
	v1 =	vadd.f32 v11, v1  }
0xe6: {  	v14 =	vld [tilespmem:s13+$0xCC00];
	v6 =	vadd.f32 v10, v6  }
0xe7: {  	v15 =	vld [tilespmem:s13+$0xCC10];
	v8 =	vadd.f32 v7, v8  }
.Ltmp7:
0xe8: {  	v11 =	vld [tilespmem:s13+$0xCC20];
	v4 =	vadd.f32 v9, v4;
	(pc) =	sbr.rel @p1 .LBB2_13-.Ltmp7, $4  }
0xe9: {  	v10 =	vld [tilespmem:s13+$0xCC30];
	v2 =	vadd.f32 v12, v2  }
0xea: {  	v7 =	vld [tilespmem:s13+$0xCC40];
	v0 =	vadd.f32 v13, v0  }
0xeb: {  	v5 =	vadd.f32 v14, v5;
	v9 =	vld [tilespmem:s13+$0xCC50]  }
0xec: {  	v3 =	vadd.f32 v15, v3;
	v12 =	vld [tilespmem:s13+$0xCC60];
	s13 =	sshra.s32 s14, $0x2;
	s14 =	sadd.s32 $0x200, s14  }
0xed: {  	v14 =	vld [tilespmem:s13+$0xCC00]  }
0xee: {  	v15 =	vld [tilespmem:s13+$0xCC10]  }
0xef: {  	v16 =	vld [tilespmem:s13+$0xCC20]  }
0xf0: {  	v13 =	vld [tilespmem:s13+$0xCC70]  }
0xf1: {  	v6 =	vadd.f32 v10, v6;
	v10 =	vld [tilespmem:s13+$0xCC60]  }
0xf2: {  	v17 =	vld [tilespmem:s13+$0xCC30];
	v1 =	vadd.f32 v11, v1;
	v5 =	vadd.f32 v14, v5  }
0xf3: {  	v18 =	vld [tilespmem:s13+$0xCC40];
	v3 =	vadd.f32 v15, v3  }
0xf4: {  	v11 =	vld [tilespmem:s13+$0xCC50];
	v2 =	vadd.f32 v12, v2;
	v1 =	vadd.f32 v16, v1;
	[tilespmem:s11+$0x12280] =	vst v5  }
0xf5: {  	v0 =	vadd.f32 v13, v0;
	[tilespmem:s11+$0x12290] =	vst v3  }
0xf6: {  	v7 =	vadd.f32 v7, v8;
	v2 =	vadd.f32 v10, v2;
	[tilespmem:s11+$0x122A0] =	vst v1  }
0xf7: {  	v4 =	vadd.f32 v9, v4;
	v5 =	vadd.f32 v17, v6;
	[tilespmem:s11+$0x122F0] =	vst v0  }
0xf8: {  	v3 =	vadd.f32 v18, v7;
	[tilespmem:s11+$0x122E0] =	vst v2  }
0xf9: {  	v1 =	vadd.f32 v11, v4;
	[tilespmem:s11+$0x122B0] =	vst v5  }
0xfa: {  	[tilespmem:s11+$0x122C0] =	vst v3  }
0xfb: {  	s14 =	simm.s32 @!p0 $0x32;
	s15 =	simm.s32 @!p0 $0xCC00;
	s13 =	sadd.s32 @!p0 $0x680, s12;
	[tilespmem:s11+$0x122D0] =	vst v1  }
0xfc: {  	[tilespmem:s15], [sflag:$0x6] =	stream.indirect.gather @!p0 [hbm4b:s1+s14], $0x80, s13, s14, $0xb8;
	[tilespmem:$0x16000] =	vst v63  }
0xfd: {  	_ =	swait.ge [sflag:s31], $0x1900  }
0xfe: {  	[sflag:s31] =	ssyncset.done $0x0  }
0xff: {  	s15 =	simm.s32 $0x0;
	[sflag:s31] =	ssyncadd.s32 $0xFFFFE700  }
0x100: {  	v0 =	vld [tilespmem:s15+$0xE870]  }
0x101: {  	v2 =	vld [tilespmem:s15+$0xE800]  }
0x102: {  	v3 =	vld [tilespmem:s15+$0xE810]  }
0x103: {  	v11 =	vld [tilespmem:s15+$0xE820]  }
0x104: {  	v10 =	vld [tilespmem:s15+$0xE830]  }
0x105: {  	v8 =	vimm.f32 $0.0e+00;
	v1 =	vimm.f32 $0.0e+00;
	v7 =	vld [tilespmem:s15+$0xE840]  }
0x106: {  	v6 =	vimm.f32 $0.0e+00;
	v4 =	vimm.f32 $0.0e+00;
	v9 =	vld [tilespmem:s15+$0xE850];
	v0 =	vadd.f32 v0, v1  }
0x107: {  	s13 =	simm.s32 $0x80;
	s14 =	simm.s32 $0x400;
	v12 =	vld [tilespmem:s15+$0xE860];
	v5 =	vadd.f32 v2, v1;
	v3 =	vadd.f32 v3, v1;
	v2 =	vimm.f32 $0.0e+00  }
.LBB2_15:
0x108: {  	p1 =	sne.s32 s14, $0x6200;
	v13 =	vld [tilespmem:s13+$0xE870];
	v1 =	vadd.f32 v11, v1  }
0x109: {  	v14 =	vld [tilespmem:s13+$0xE800];
	v6 =	vadd.f32 v10, v6  }
0x10a: {  	v15 =	vld [tilespmem:s13+$0xE810];
	v8 =	vadd.f32 v7, v8  }
.Ltmp8:
0x10b: {  	v11 =	vld [tilespmem:s13+$0xE820];
	v4 =	vadd.f32 v9, v4;
	(pc) =	sbr.rel @p1 .LBB2_15-.Ltmp8, $4  }
0x10c: {  	v10 =	vld [tilespmem:s13+$0xE830];
	v2 =	vadd.f32 v12, v2  }
0x10d: {  	v7 =	vld [tilespmem:s13+$0xE840];
	v0 =	vadd.f32 v13, v0  }
0x10e: {  	v5 =	vadd.f32 v14, v5;
	v9 =	vld [tilespmem:s13+$0xE850]  }
0x10f: {  	v3 =	vadd.f32 v15, v3;
	v12 =	vld [tilespmem:s13+$0xE860];
	s13 =	sshra.s32 s14, $0x2;
	s14 =	sadd.s32 $0x200, s14  }
0x110: {  	v14 =	vld [tilespmem:s13+$0xE800]  }
0x111: {  	v15 =	vld [tilespmem:s13+$0xE810]  }
0x112: {  	v16 =	vld [tilespmem:s13+$0xE820]  }
0x113: {  	v13 =	vld [tilespmem:s13+$0xE870]  }
0x114: {  	v6 =	vadd.f32 v10, v6;
	v10 =	vld [tilespmem:s13+$0xE860]  }
0x115: {  	v17 =	vld [tilespmem:s13+$0xE830];
	v1 =	vadd.f32 v11, v1;
	v5 =	vadd.f32 v14, v5  }
0x116: {  	v18 =	vld [tilespmem:s13+$0xE840];
	v3 =	vadd.f32 v15, v3  }
0x117: {  	v11 =	vld [tilespmem:s13+$0xE850];
	v2 =	vadd.f32 v12, v2;
	v1 =	vadd.f32 v16, v1;
	[tilespmem:s11+$0x12300] =	vst v5  }
0x118: {  	v0 =	vadd.f32 v13, v0;
	[tilespmem:s11+$0x12310] =	vst v3  }
0x119: {  	v7 =	vadd.f32 v7, v8;
	v2 =	vadd.f32 v10, v2;
	[tilespmem:s11+$0x12320] =	vst v1  }
0x11a: {  	v4 =	vadd.f32 v9, v4;
	v5 =	vadd.f32 v17, v6;
	[tilespmem:s11+$0x12370] =	vst v0  }
0x11b: {  	v3 =	vadd.f32 v18, v7;
	[tilespmem:s11+$0x12360] =	vst v2  }
0x11c: {  	v1 =	vadd.f32 v11, v4;
	[tilespmem:s11+$0x12330] =	vst v5  }
0x11d: {  	[tilespmem:s11+$0x12340] =	vst v3  }
0x11e: {  	s12 =	sadd.s32 @!p0 $0x700, s12;
	s14 =	simm.s32 @!p0 $0xE800;
	s13 =	simm.s32 @!p0 $0x32;
	[tilespmem:s11+$0x12350] =	vst v1  }
0x11f: {  	[tilespmem:s14], [sflag:$0x7] =	stream.indirect.gather @!p0 [hbm4b:s1+s13], $0x80, s12, s13, $0xb8;
	[tilespmem:$0x16000] =	vst v63  }
0x120: {  	_ =	swait.ge [sflag:s0], $0x1900  }
0x121: {  	[sflag:s0] =	ssyncset.done $0x0  }
0x122: {  	s15 =	simm.s32 $0x0;
	[sflag:s0] =	ssyncadd.s32 $0xFFFFE700  }
0x123: {  	v0 =	vld [tilespmem:s15+$0x10470]  }
0x124: {  	v2 =	vld [tilespmem:s15+$0x10400]  }
0x125: {  	v3 =	vld [tilespmem:s15+$0x10410]  }
0x126: {  	v11 =	vld [tilespmem:s15+$0x10420]  }
0x127: {  	v10 =	vld [tilespmem:s15+$0x10430]  }
0x128: {  	v8 =	vimm.f32 $0.0e+00;
	v1 =	vimm.f32 $0.0e+00;
	v7 =	vld [tilespmem:s15+$0x10440]  }
0x129: {  	v6 =	vimm.f32 $0.0e+00;
	v4 =	vimm.f32 $0.0e+00;
	v9 =	vld [tilespmem:s15+$0x10450];
	v0 =	vadd.f32 v0, v1  }
0x12a: {  	s12 =	simm.s32 $0x80;
	s13 =	simm.s32 $0x400;
	v12 =	vld [tilespmem:s15+$0x10460];
	v5 =	vadd.f32 v2, v1;
	v3 =	vadd.f32 v3, v1;
	v2 =	vimm.f32 $0.0e+00  }
.LBB2_17:
0x12b: {  	p1 =	sne.s32 s13, $0x6200;
	v13 =	vld [tilespmem:s12+$0x10470];
	v1 =	vadd.f32 v11, v1  }
0x12c: {  	v14 =	vld [tilespmem:s12+$0x10400];
	v6 =	vadd.f32 v10, v6  }
0x12d: {  	v15 =	vld [tilespmem:s12+$0x10410];
	v8 =	vadd.f32 v7, v8  }
.Ltmp9:
0x12e: {  	v11 =	vld [tilespmem:s12+$0x10420];
	v4 =	vadd.f32 v9, v4;
	(pc) =	sbr.rel @p1 .LBB2_17-.Ltmp9, $4  }
0x12f: {  	v10 =	vld [tilespmem:s12+$0x10430];
	v2 =	vadd.f32 v12, v2  }
0x130: {  	v7 =	vld [tilespmem:s12+$0x10440];
	v0 =	vadd.f32 v13, v0  }
0x131: {  	v5 =	vadd.f32 v14, v5;
	v9 =	vld [tilespmem:s12+$0x10450]  }
0x132: {  	v3 =	vadd.f32 v15, v3;
	v12 =	vld [tilespmem:s12+$0x10460];
	s12 =	sshra.s32 s13, $0x2;
	s13 =	sadd.s32 $0x200, s13  }
0x133: {  	v14 =	vld [tilespmem:s12+$0x10400]  }
0x134: {  	v15 =	vld [tilespmem:s12+$0x10410]  }
0x135: {  	v16 =	vld [tilespmem:s12+$0x10420]  }
0x136: {  	v17 =	vld [tilespmem:s12+$0x10430]  }
0x137: {  	v18 =	vld [tilespmem:s12+$0x10440]  }
0x138: {  	v1 =	vadd.f32 v11, v1;
	v59 =	vld [tilespmem:s12+$0x10450];
	v5 =	vadd.f32 v14, v5  }
0x139: {  	v13 =	vld [tilespmem:s12+$0x10470];
	v6 =	vadd.f32 v10, v6;
	v3 =	vadd.f32 v15, v3  }
0x13a: {  	v60 =	vld [tilespmem:s12+$0x10460];
	v7 =	vadd.f32 v7, v8;
	v1 =	vadd.f32 v16, v1;
	[tilespmem:s11+$0x12380] =	vst v5  }
0x13b: {  	v4 =	vadd.f32 v9, v4;
	v61 =	vadd.f32 v17, v6;
	[tilespmem:s11+$0x12390] =	vst v3  }
0x13c: {  	v62 =	vadd.f32 v18, v7;
	[tilespmem:s11+$0x123A0] =	vst v1  }
.Ltmp10:
0x13d: {  	v2 =	vadd.f32 v12, v2;
	v63 =	vadd.f32 v59, v4;
	[tilespmem:s11+$0x123B0] =	vst v61;
	(pc) =	sbr.rel @p0 .LBB2_20-.Ltmp10, $4  }
0x13e: {  	v0 =	vadd.f32 v13, v0;
	[tilespmem:s11+$0x123C0] =	vst v62  }
0x13f: {  	v2 =	vadd.f32 v60, v2;
	[tilespmem:s11+$0x123D0] =	vst v63  }
0x140: {  	[tilespmem:s11+$0x123F0] =	vst v0  }
0x141: {  	[tilespmem:s11+$0x123E0] =	vst v2  }
.Ltmp11:
0x142: {  	(pc) =	sbr.rel .LBB2_2-.Ltmp11, $3  }
0x143: {  	_ =	sdelay $0x1  }
0x144: {  	s11 =	sadd.s32 $0x780, s11;
	s10 =	sadd.s32 $0x1, s10  }
0x145: {  	[tilespmem:s23], [sflag:$0x8] =	stream.indirect.gather [hbm4b:s1+s8], $0x80, s11, s8, $0xb8;
	[tilespmem:$0x16000] =	vst v63  }
.LBB2_21:
0x146: {  	_ =	sfence.sel $0x180000  }
0x147: {  	[bflag:$0x0] =	sbarrier.arrive $0xFFFF  }
0x148: {  	_ =	strace $0x90000047  }
0x149: {  	s0 =	stileid.u32;
	[bflag:$0x2] =	sbarrier.arrive $0xFFFF  }
0x14a: {  	p0 =	sne.s32 s0, $0x0;
	s0 =	rddreg [dreg:$0x3]  }
0x14b: {  	s0 =	sadd.s32 @!p0 $0x100000, s0  }
0x14c: {  	[sflag:s0] =	ssyncadd.tile.s32 @!p0 $0x1;
	_ =	shalt  }
.Lfunc_end2:
_tile_overlayer_lowered:
.L_overlay_start_2:
0x14d: {  	(tag) =	ssettag $0x2  }
0x14e: {  	s0 =	rddreg [dreg:$0x0];
	s2 =	stileid.u32  }
0x14f: {  	s1 =	rddreg [dreg:$0x1];
	p0 =	sne.s32 s2, $0x0  }
0x150: {  	s3 =	rddreg [dreg:$0x2];
	[bflag:$0x3] =	sbarrier.arrive $0xFFFF;
	s2 =	simm.s32 @!p0 $0x1C09  }
0x151: {  	[timem:s3], [sflag:s2] =	dma.local @!p0 [hbm:s0], s1  }
0x152: {  	s0 =	simm.s32 @!p0 $0x9  }
0x153: {  	_ =	swait.ge @!p0 [sflag:s0], s1  }
0x154: {  	s1 =	ssub.s32 @!p0 $0x0, s1;
	[sflag:s0] =	ssyncset.done @!p0 $0x0  }
0x155: {  	[sflag:s0] =	ssyncadd.s32 @!p0 s1  }
0x156: {  	[bflag:$0x3] =	sbarrier.arrive $0xFFFF  }
0x157: {  	_ =	shalt  }

</sc_bundles>
